<compile_context>
chip_gen: v7x
topology: tpu7x:2x2x1
jax: 0.10.2.dev20260603
libtpu: 0.0.44.dev20260713+nightly
codegen_flags: <defaults>
</compile_context>

<pallas_src>
import functools

import jax
import jax.numpy as jnp
from jax import lax
from jax.experimental import pallas as pl
from jax.experimental.pallas import tpu as pltpu
from jax.experimental.pallas import tpu_sc as plsc

_T = 1000
_D = 128
_B = 16384
_NC = 2
_NS = 16
_NW = _NC * _NS
_BPW = _B // _NW
_CHUNK = 64
_NCHUNK = _BPW // _CHUNK
_STAGE_SPLIT = [(k * 128, 128) for k in range(7)] + [(896, 104)]

_mesh = plsc.VectorSubcoreMesh(core_axis_name="c", subcore_axis_name="s")


@functools.partial(
    pl.kernel,
    mesh=_mesh,
    out_type=jax.ShapeDtypeStruct((_B, _D), jnp.float32),
    scratch_types=[
        pltpu.VMEM((_BPW,), jnp.int32),
        pltpu.VMEM((_BPW, _D), jnp.float32),
        pltpu.VMEM_SHARED((_T, _D), jnp.float32),
    ]
    + [pltpu.SemaphoreType.DMA] * (_NCHUNK + 2),
)
def _lookup(te_hbm, t_hbm, out_hbm, idx_v, rows_v, table_s, *sems):
    gsems, wsem, isem = sems[:_NCHUNK], sems[_NCHUNK], sems[_NCHUNK + 1]
    sid = lax.axis_index("s")
    wid = sid * _NC + lax.axis_index("c")
    base = wid * _BPW

    idx_cp = pltpu.async_copy(t_hbm.at[pl.ds(base, _BPW)], idx_v, isem)

    for k, (r0, nrows) in enumerate(_STAGE_SPLIT):
        @pl.when(sid == k)
        def _(r0=r0, nrows=nrows):
            pltpu.sync_copy(
                te_hbm.at[pl.ds(r0, nrows)],
                table_s.at[pl.ds(r0, nrows)],
            )
    idx_cp.wait()
    plsc.subcore_barrier()

    gathers = []
    for j in range(_NCHUNK):
        gathers.append(
            pltpu.async_copy(
                table_s.at[idx_v.at[pl.ds(j * _CHUNK, _CHUNK)]],
                rows_v.at[pl.ds(j * _CHUNK, _CHUNK)],
                gsems[j],
            )
        )
    writes = []
    for j in range(_NCHUNK):
        gathers[j].wait()
        writes.append(
            pltpu.async_copy(
                rows_v.at[pl.ds(j * _CHUNK, _CHUNK)],
                out_hbm.at[pl.ds(base + j * _CHUNK, _CHUNK)],
                wsem,
            )
        )
    for c in writes:
        c.wait()


def kernel(te, t):
    if t.dtype != jnp.int32:
        t = t.astype(jnp.int32)
    return _lookup(te, t)

# --- scband reference (transcript-rebuilt; emitter-appended) ---
"""Pipeline reference for scband-time-embedding-59253368816228 (READ-ONLY COPY).

The authoritative reference and input builder live on the scoring server;
editing this copy changes nothing except your own understanding.
"""

import math
import jax, jax.numpy as jnp
import numpy as np

T = 1000
T_EMBD = 128
BATCH = 16384

def _make_te(T, t_embd):
    t = np.arange(T, dtype=np.float32)[:, None]
    div_term = np.exp(np.arange(0, t_embd, 2).astype(np.float32) * -(math.log(10000.0) / t_embd))
    te = np.zeros((T, t_embd), dtype=np.float32)
    te[:, 0::2] = np.sin(t / div_term)
    te[:, 1::2] = np.cos(t / div_term)
    return jnp.asarray(te)

def setup_inputs(seed: int = 0) -> dict:
    key = jax.random.key(seed)
    t = jax.random.randint(key, (BATCH,), 0, T, dtype=jnp.int64 if jax.config.read('jax_enable_x64') else jnp.int32)
    te = _make_te(T, T_EMBD)
    return {"te": te, "t": t}

def reference(te, t):
    # Faithful translation of TimeEmbedding.forward: sinusoidal table lookup
    return jnp.take(te, t, axis=0)

if __name__ == "__main__":
    import jax
    _d = setup_inputs()
    print(jax.jit(kernel)(*tuple(_d.values())))

</pallas_src>

<mosaic_0001>
#map = affine_map<(d0, d1) -> (0, 0)>
#map1 = affine_map<(d0, d1) -> (0)>
module attributes {stable_mosaic.version = 14 : i64} {
  func.func @_lookup(%arg0: i32, %arg1: i32, %arg2: memref<1000x128xf32, #tpu.memory_space<hbm>>, %arg3: memref<16384xi32, #tpu.memory_space<hbm>>, %arg4: memref<16384x128xf32, #tpu.memory_space<hbm>>, %arg5: memref<512xi32, #tpu.memory_space<vmem>>, %arg6: memref<512x128xf32, #tpu.memory_space<vmem>>, %arg7: memref<1000x128xf32, #tpu.memory_space<vmem_shared>>, %arg8: memref<!tpu.dma_semaphore, #tpu.memory_space<semaphore_mem>>, %arg9: memref<!tpu.dma_semaphore, #tpu.memory_space<semaphore_mem>>, %arg10: memref<!tpu.dma_semaphore, #tpu.memory_space<semaphore_mem>>, %arg11: memref<!tpu.dma_semaphore, #tpu.memory_space<semaphore_mem>>, %arg12: memref<!tpu.dma_semaphore, #tpu.memory_space<semaphore_mem>>, %arg13: memref<!tpu.dma_semaphore, #tpu.memory_space<semaphore_mem>>, %arg14: memref<!tpu.dma_semaphore, #tpu.memory_space<semaphore_mem>>, %arg15: memref<!tpu.dma_semaphore, #tpu.memory_space<semaphore_mem>>, %arg16: memref<!tpu.dma_semaphore, #tpu.memory_space<semaphore_mem>>, %arg17: memref<!tpu.dma_semaphore, #tpu.memory_space<semaphore_mem>>) attributes {dimension_semantics = [#tpu.dimension_semantics<core_parallel>, #tpu.dimension_semantics<subcore_parallel>], iteration_bounds = array<i64: 2, 16>, scalar_prefetch = 0 : i64, scratch_operands = 13 : i64, tpu.core_type = #tpu.core_type<sc_vector_subcore>, window_params = [{transform_indices = #map}, {transform_indices = #map1}, {transform_indices = #map}]} {
    %mul3A = arith.constant 2 : i32
    %mul3A_0 = arith.muli %arg1, %mul3A : i32
    %add3A = arith.addi %mul3A_0, %arg0 : i32
    %mul3A_1 = arith.constant 512 : i32
    %mul3A_2 = arith.muli %add3A, %mul3A_1 : i32
    %dma_start3A = tpu.memref_slice %arg3[%mul3A_2] : memref<16384xi32, #tpu.memory_space<hbm>> -> memref<512xi32, #tpu.memory_space<hbm>>
    %dma_start3A_3 = tpu.memref_slice %arg3[%mul3A_2] : memref<16384xi32, #tpu.memory_space<hbm>> -> memref<512xi32, #tpu.memory_space<hbm>>
    tpu.enqueue_dma source(%dma_start3A_3 : memref<512xi32, #tpu.memory_space<hbm>>) target(%arg5 : memref<512xi32, #tpu.memory_space<vmem>>) target_semaphore(%arg17 : memref<!tpu.dma_semaphore, #tpu.memory_space<semaphore_mem>>)
    %eq3A = arith.constant 0 : i32
    %eq3A_4 = arith.cmpi eq, %arg1, %eq3A : i32
    %convert_element_type3A = arith.extui %eq3A_4 : i1 to i32
    %cond3A = arith.constant 0 : i32
    %cond3A_5 = arith.cmpi ne, %convert_element_type3A, %cond3A : i32
    scf.if %cond3A_5 {
      "tpu.region"() ({
        %run_scoped3A = tpu.sem_alloc : memref<!tpu.dma_semaphore, #tpu.memory_space<semaphore_mem>>
        %dma_start3A_346 = arith.constant 0 : i32
        %dma_start3A_347 = arith.constant 0 : i32
        %dma_start3A_348 = tpu.memref_slice %arg7[%dma_start3A_346, %dma_start3A_347] : memref<1000x128xf32, #tpu.memory_space<vmem_shared>> -> memref<128x128xf32, #tpu.memory_space<vmem_shared>>
        %dma_start3A_349 = arith.constant 0 : i32
        %dma_start3A_350 = arith.constant 0 : i32
        %dma_start3A_351 = tpu.memref_slice %arg2[%dma_start3A_349, %dma_start3A_350] : memref<1000x128xf32, #tpu.memory_space<hbm>> -> memref<128x128xf32, #tpu.memory_space<hbm>>
        tpu.enqueue_dma source(%dma_start3A_351 : memref<128x128xf32, #tpu.memory_space<hbm>>) target(%dma_start3A_348 : memref<128x128xf32, #tpu.memory_space<vmem_shared>>) target_semaphore(%run_scoped3A : memref<!tpu.dma_semaphore, #tpu.memory_space<semaphore_mem>>)
        %dma_wait3A_352 = arith.constant 0 : i32
        %dma_wait3A_353 = arith.constant 0 : i32
        %dma_wait3A_354 = tpu.memref_slice %arg7[%dma_wait3A_352, %dma_wait3A_353] : memref<1000x128xf32, #tpu.memory_space<vmem_shared>> -> memref<128x128xf32, #tpu.memory_space<vmem_shared>>
        %dma_wait3A_355 = arith.constant 0 : i32
        %dma_wait3A_356 = arith.constant 0 : i32
        %dma_wait3A_357 = tpu.memref_slice %arg2[%dma_wait3A_355, %dma_wait3A_356] : memref<1000x128xf32, #tpu.memory_space<hbm>> -> memref<128x128xf32, #tpu.memory_space<hbm>>
        tpu.wait_dma2 semaphore(%run_scoped3A : memref<!tpu.dma_semaphore, #tpu.memory_space<semaphore_mem>>) src(%dma_wait3A_357 : memref<128x128xf32, #tpu.memory_space<hbm>>) dst(%dma_wait3A_354 : memref<128x128xf32, #tpu.memory_space<vmem_shared>>)
        tpu.yield
      }) : () -> ()
    } else {
    }
    %eq3A_6 = arith.constant 1 : i32
    %eq3A_7 = arith.cmpi eq, %arg1, %eq3A_6 : i32
    %convert_element_type3A_8 = arith.extui %eq3A_7 : i1 to i32
    %cond3A_9 = arith.constant 0 : i32
    %cond3A_10 = arith.cmpi ne, %convert_element_type3A_8, %cond3A_9 : i32
    scf.if %cond3A_10 {
      "tpu.region"() ({
        %run_scoped3A = tpu.sem_alloc : memref<!tpu.dma_semaphore, #tpu.memory_space<semaphore_mem>>
        %dma_start3A_346 = arith.constant 128 : i32
        %dma_start3A_347 = arith.constant 0 : i32
        %dma_start3A_348 = tpu.memref_slice %arg7[%dma_start3A_346, %dma_start3A_347] : memref<1000x128xf32, #tpu.memory_space<vmem_shared>> -> memref<128x128xf32, #tpu.memory_space<vmem_shared>>
        %dma_start3A_349 = arith.constant 128 : i32
        %dma_start3A_350 = arith.constant 0 : i32
        %dma_start3A_351 = tpu.memref_slice %arg2[%dma_start3A_349, %dma_start3A_350] : memref<1000x128xf32, #tpu.memory_space<hbm>> -> memref<128x128xf32, #tpu.memory_space<hbm>>
        tpu.enqueue_dma source(%dma_start3A_351 : memref<128x128xf32, #tpu.memory_space<hbm>>) target(%dma_start3A_348 : memref<128x128xf32, #tpu.memory_space<vmem_shared>>) target_semaphore(%run_scoped3A : memref<!tpu.dma_semaphore, #tpu.memory_space<semaphore_mem>>)
        %dma_wait3A_352 = arith.constant 128 : i32
        %dma_wait3A_353 = arith.constant 0 : i32
        %dma_wait3A_354 = tpu.memref_slice %arg7[%dma_wait3A_352, %dma_wait3A_353] : memref<1000x128xf32, #tpu.memory_space<vmem_shared>> -> memref<128x128xf32, #tpu.memory_space<vmem_shared>>
        %dma_wait3A_355 = arith.constant 128 : i32
        %dma_wait3A_356 = arith.constant 0 : i32
        %dma_wait3A_357 = tpu.memref_slice %arg2[%dma_wait3A_355, %dma_wait3A_356] : memref<1000x128xf32, #tpu.memory_space<hbm>> -> memref<128x128xf32, #tpu.memory_space<hbm>>
        tpu.wait_dma2 semaphore(%run_scoped3A : memref<!tpu.dma_semaphore, #tpu.memory_space<semaphore_mem>>) src(%dma_wait3A_357 : memref<128x128xf32, #tpu.memory_space<hbm>>) dst(%dma_wait3A_354 : memref<128x128xf32, #tpu.memory_space<vmem_shared>>)
        tpu.yield
      }) : () -> ()
    } else {
    }
    %eq3A_11 = arith.constant 2 : i32
    %eq3A_12 = arith.cmpi eq, %arg1, %eq3A_11 : i32
    %convert_element_type3A_13 = arith.extui %eq3A_12 : i1 to i32
    %cond3A_14 = arith.constant 0 : i32
    %cond3A_15 = arith.cmpi ne, %convert_element_type3A_13, %cond3A_14 : i32
    scf.if %cond3A_15 {
      "tpu.region"() ({
        %run_scoped3A = tpu.sem_alloc : memref<!tpu.dma_semaphore, #tpu.memory_space<semaphore_mem>>
        %dma_start3A_346 = arith.constant 256 : i32
        %dma_start3A_347 = arith.constant 0 : i32
        %dma_start3A_348 = tpu.memref_slice %arg7[%dma_start3A_346, %dma_start3A_347] : memref<1000x128xf32, #tpu.memory_space<vmem_shared>> -> memref<128x128xf32, #tpu.memory_space<vmem_shared>>
        %dma_start3A_349 = arith.constant 256 : i32
        %dma_start3A_350 = arith.constant 0 : i32
        %dma_start3A_351 = tpu.memref_slice %arg2[%dma_start3A_349, %dma_start3A_350] : memref<1000x128xf32, #tpu.memory_space<hbm>> -> memref<128x128xf32, #tpu.memory_space<hbm>>
        tpu.enqueue_dma source(%dma_start3A_351 : memref<128x128xf32, #tpu.memory_space<hbm>>) target(%dma_start3A_348 : memref<128x128xf32, #tpu.memory_space<vmem_shared>>) target_semaphore(%run_scoped3A : memref<!tpu.dma_semaphore, #tpu.memory_space<semaphore_mem>>)
        %dma_wait3A_352 = arith.constant 256 : i32
        %dma_wait3A_353 = arith.constant 0 : i32
        %dma_wait3A_354 = tpu.memref_slice %arg7[%dma_wait3A_352, %dma_wait3A_353] : memref<1000x128xf32, #tpu.memory_space<vmem_shared>> -> memref<128x128xf32, #tpu.memory_space<vmem_shared>>
        %dma_wait3A_355 = arith.constant 256 : i32
        %dma_wait3A_356 = arith.constant 0 : i32
        %dma_wait3A_357 = tpu.memref_slice %arg2[%dma_wait3A_355, %dma_wait3A_356] : memref<1000x128xf32, #tpu.memory_space<hbm>> -> memref<128x128xf32, #tpu.memory_space<hbm>>
        tpu.wait_dma2 semaphore(%run_scoped3A : memref<!tpu.dma_semaphore, #tpu.memory_space<semaphore_mem>>) src(%dma_wait3A_357 : memref<128x128xf32, #tpu.memory_space<hbm>>) dst(%dma_wait3A_354 : memref<128x128xf32, #tpu.memory_space<vmem_shared>>)
        tpu.yield
      }) : () -> ()
    } else {
    }
    %eq3A_16 = arith.constant 3 : i32
    %eq3A_17 = arith.cmpi eq, %arg1, %eq3A_16 : i32
    %convert_element_type3A_18 = arith.extui %eq3A_17 : i1 to i32
    %cond3A_19 = arith.constant 0 : i32
    %cond3A_20 = arith.cmpi ne, %convert_element_type3A_18, %cond3A_19 : i32
    scf.if %cond3A_20 {
      "tpu.region"() ({
        %run_scoped3A = tpu.sem_alloc : memref<!tpu.dma_semaphore, #tpu.memory_space<semaphore_mem>>
        %dma_start3A_346 = arith.constant 384 : i32
        %dma_start3A_347 = arith.constant 0 : i32
        %dma_start3A_348 = tpu.memref_slice %arg7[%dma_start3A_346, %dma_start3A_347] : memref<1000x128xf32, #tpu.memory_space<vmem_shared>> -> memref<128x128xf32, #tpu.memory_space<vmem_shared>>
        %dma_start3A_349 = arith.constant 384 : i32
        %dma_start3A_350 = arith.constant 0 : i32
        %dma_start3A_351 = tpu.memref_slice %arg2[%dma_start3A_349, %dma_start3A_350] : memref<1000x128xf32, #tpu.memory_space<hbm>> -> memref<128x128xf32, #tpu.memory_space<hbm>>
        tpu.enqueue_dma source(%dma_start3A_351 : memref<128x128xf32, #tpu.memory_space<hbm>>) target(%dma_start3A_348 : memref<128x128xf32, #tpu.memory_space<vmem_shared>>) target_semaphore(%run_scoped3A : memref<!tpu.dma_semaphore, #tpu.memory_space<semaphore_mem>>)
        %dma_wait3A_352 = arith.constant 384 : i32
        %dma_wait3A_353 = arith.constant 0 : i32
        %dma_wait3A_354 = tpu.memref_slice %arg7[%dma_wait3A_352, %dma_wait3A_353] : memref<1000x128xf32, #tpu.memory_space<vmem_shared>> -> memref<128x128xf32, #tpu.memory_space<vmem_shared>>
        %dma_wait3A_355 = arith.constant 384 : i32
        %dma_wait3A_356 = arith.constant 0 : i32
        %dma_wait3A_357 = tpu.memref_slice %arg2[%dma_wait3A_355, %dma_wait3A_356] : memref<1000x128xf32, #tpu.memory_space<hbm>> -> memref<128x128xf32, #tpu.memory_space<hbm>>
        tpu.wait_dma2 semaphore(%run_scoped3A : memref<!tpu.dma_semaphore, #tpu.memory_space<semaphore_mem>>) src(%dma_wait3A_357 : memref<128x128xf32, #tpu.memory_space<hbm>>) dst(%dma_wait3A_354 : memref<128x128xf32, #tpu.memory_space<vmem_shared>>)
        tpu.yield
      }) : () -> ()
    } else {
    }
    %eq3A_21 = arith.constant 4 : i32
    %eq3A_22 = arith.cmpi eq, %arg1, %eq3A_21 : i32
    %convert_element_type3A_23 = arith.extui %eq3A_22 : i1 to i32
    %cond3A_24 = arith.constant 0 : i32
    %cond3A_25 = arith.cmpi ne, %convert_element_type3A_23, %cond3A_24 : i32
    scf.if %cond3A_25 {
      "tpu.region"() ({
        %run_scoped3A = tpu.sem_alloc : memref<!tpu.dma_semaphore, #tpu.memory_space<semaphore_mem>>
        %dma_start3A_346 = arith.constant 512 : i32
        %dma_start3A_347 = arith.constant 0 : i32
        %dma_start3A_348 = tpu.memref_slice %arg7[%dma_start3A_346, %dma_start3A_347] : memref<1000x128xf32, #tpu.memory_space<vmem_shared>> -> memref<128x128xf32, #tpu.memory_space<vmem_shared>>
        %dma_start3A_349 = arith.constant 512 : i32
        %dma_start3A_350 = arith.constant 0 : i32
        %dma_start3A_351 = tpu.memref_slice %arg2[%dma_start3A_349, %dma_start3A_350] : memref<1000x128xf32, #tpu.memory_space<hbm>> -> memref<128x128xf32, #tpu.memory_space<hbm>>
        tpu.enqueue_dma source(%dma_start3A_351 : memref<128x128xf32, #tpu.memory_space<hbm>>) target(%dma_start3A_348 : memref<128x128xf32, #tpu.memory_space<vmem_shared>>) target_semaphore(%run_scoped3A : memref<!tpu.dma_semaphore, #tpu.memory_space<semaphore_mem>>)
        %dma_wait3A_352 = arith.constant 512 : i32
        %dma_wait3A_353 = arith.constant 0 : i32
        %dma_wait3A_354 = tpu.memref_slice %arg7[%dma_wait3A_352, %dma_wait3A_353] : memref<1000x128xf32, #tpu.memory_space<vmem_shared>> -> memref<128x128xf32, #tpu.memory_space<vmem_shared>>
        %dma_wait3A_355 = arith.constant 512 : i32
        %dma_wait3A_356 = arith.constant 0 : i32
        %dma_wait3A_357 = tpu.memref_slice %arg2[%dma_wait3A_355, %dma_wait3A_356] : memref<1000x128xf32, #tpu.memory_space<hbm>> -> memref<128x128xf32, #tpu.memory_space<hbm>>
        tpu.wait_dma2 semaphore(%run_scoped3A : memref<!tpu.dma_semaphore, #tpu.memory_space<semaphore_mem>>) src(%dma_wait3A_357 : memref<128x128xf32, #tpu.memory_space<hbm>>) dst(%dma_wait3A_354 : memref<128x128xf32, #tpu.memory_space<vmem_shared>>)
        tpu.yield
      }) : () -> ()
    } else {
    }
    %eq3A_26 = arith.constant 5 : i32
    %eq3A_27 = arith.cmpi eq, %arg1, %eq3A_26 : i32
    %convert_element_type3A_28 = arith.extui %eq3A_27 : i1 to i32
    %cond3A_29 = arith.constant 0 : i32
    %cond3A_30 = arith.cmpi ne, %convert_element_type3A_28, %cond3A_29 : i32
    scf.if %cond3A_30 {
      "tpu.region"() ({
        %run_scoped3A = tpu.sem_alloc : memref<!tpu.dma_semaphore, #tpu.memory_space<semaphore_mem>>
        %dma_start3A_346 = arith.constant 640 : i32
        %dma_start3A_347 = arith.constant 0 : i32
        %dma_start3A_348 = tpu.memref_slice %arg7[%dma_start3A_346, %dma_start3A_347] : memref<1000x128xf32, #tpu.memory_space<vmem_shared>> -> memref<128x128xf32, #tpu.memory_space<vmem_shared>>
        %dma_start3A_349 = arith.constant 640 : i32
        %dma_start3A_350 = arith.constant 0 : i32
        %dma_start3A_351 = tpu.memref_slice %arg2[%dma_start3A_349, %dma_start3A_350] : memref<1000x128xf32, #tpu.memory_space<hbm>> -> memref<128x128xf32, #tpu.memory_space<hbm>>
        tpu.enqueue_dma source(%dma_start3A_351 : memref<128x128xf32, #tpu.memory_space<hbm>>) target(%dma_start3A_348 : memref<128x128xf32, #tpu.memory_space<vmem_shared>>) target_semaphore(%run_scoped3A : memref<!tpu.dma_semaphore, #tpu.memory_space<semaphore_mem>>)
        %dma_wait3A_352 = arith.constant 640 : i32
        %dma_wait3A_353 = arith.constant 0 : i32
        %dma_wait3A_354 = tpu.memref_slice %arg7[%dma_wait3A_352, %dma_wait3A_353] : memref<1000x128xf32, #tpu.memory_space<vmem_shared>> -> memref<128x128xf32, #tpu.memory_space<vmem_shared>>
        %dma_wait3A_355 = arith.constant 640 : i32
        %dma_wait3A_356 = arith.constant 0 : i32
        %dma_wait3A_357 = tpu.memref_slice %arg2[%dma_wait3A_355, %dma_wait3A_356] : memref<1000x128xf32, #tpu.memory_space<hbm>> -> memref<128x128xf32, #tpu.memory_space<hbm>>
        tpu.wait_dma2 semaphore(%run_scoped3A : memref<!tpu.dma_semaphore, #tpu.memory_space<semaphore_mem>>) src(%dma_wait3A_357 : memref<128x128xf32, #tpu.memory_space<hbm>>) dst(%dma_wait3A_354 : memref<128x128xf32, #tpu.memory_space<vmem_shared>>)
        tpu.yield
      }) : () -> ()
    } else {
    }
    %eq3A_31 = arith.constant 6 : i32
    %eq3A_32 = arith.cmpi eq, %arg1, %eq3A_31 : i32
    %convert_element_type3A_33 = arith.extui %eq3A_32 : i1 to i32
    %cond3A_34 = arith.constant 0 : i32
    %cond3A_35 = arith.cmpi ne, %convert_element_type3A_33, %cond3A_34 : i32
    scf.if %cond3A_35 {
      "tpu.region"() ({
        %run_scoped3A = tpu.sem_alloc : memref<!tpu.dma_semaphore, #tpu.memory_space<semaphore_mem>>
        %dma_start3A_346 = arith.constant 768 : i32
        %dma_start3A_347 = arith.constant 0 : i32
        %dma_start3A_348 = tpu.memref_slice %arg7[%dma_start3A_346, %dma_start3A_347] : memref<1000x128xf32, #tpu.memory_space<vmem_shared>> -> memref<128x128xf32, #tpu.memory_space<vmem_shared>>
        %dma_start3A_349 = arith.constant 768 : i32
        %dma_start3A_350 = arith.constant 0 : i32
        %dma_start3A_351 = tpu.memref_slice %arg2[%dma_start3A_349, %dma_start3A_350] : memref<1000x128xf32, #tpu.memory_space<hbm>> -> memref<128x128xf32, #tpu.memory_space<hbm>>
        tpu.enqueue_dma source(%dma_start3A_351 : memref<128x128xf32, #tpu.memory_space<hbm>>) target(%dma_start3A_348 : memref<128x128xf32, #tpu.memory_space<vmem_shared>>) target_semaphore(%run_scoped3A : memref<!tpu.dma_semaphore, #tpu.memory_space<semaphore_mem>>)
        %dma_wait3A_352 = arith.constant 768 : i32
        %dma_wait3A_353 = arith.constant 0 : i32
        %dma_wait3A_354 = tpu.memref_slice %arg7[%dma_wait3A_352, %dma_wait3A_353] : memref<1000x128xf32, #tpu.memory_space<vmem_shared>> -> memref<128x128xf32, #tpu.memory_space<vmem_shared>>
        %dma_wait3A_355 = arith.constant 768 : i32
        %dma_wait3A_356 = arith.constant 0 : i32
        %dma_wait3A_357 = tpu.memref_slice %arg2[%dma_wait3A_355, %dma_wait3A_356] : memref<1000x128xf32, #tpu.memory_space<hbm>> -> memref<128x128xf32, #tpu.memory_space<hbm>>
        tpu.wait_dma2 semaphore(%run_scoped3A : memref<!tpu.dma_semaphore, #tpu.memory_space<semaphore_mem>>) src(%dma_wait3A_357 : memref<128x128xf32, #tpu.memory_space<hbm>>) dst(%dma_wait3A_354 : memref<128x128xf32, #tpu.memory_space<vmem_shared>>)
        tpu.yield
      }) : () -> ()
    } else {
    }
    %eq3A_36 = arith.constant 7 : i32
    %eq3A_37 = arith.cmpi eq, %arg1, %eq3A_36 : i32
    %convert_element_type3A_38 = arith.extui %eq3A_37 : i1 to i32
    %cond3A_39 = arith.constant 0 : i32
    %cond3A_40 = arith.cmpi ne, %convert_element_type3A_38, %cond3A_39 : i32
    scf.if %cond3A_40 {
      "tpu.region"() ({
        %run_scoped3A = tpu.sem_alloc : memref<!tpu.dma_semaphore, #tpu.memory_space<semaphore_mem>>
        %dma_start3A_346 = arith.constant 896 : i32
        %dma_start3A_347 = arith.constant 0 : i32
        %dma_start3A_348 = tpu.memref_slice %arg7[%dma_start3A_346, %dma_start3A_347] : memref<1000x128xf32, #tpu.memory_space<vmem_shared>> -> memref<104x128xf32, #tpu.memory_space<vmem_shared>>
        %dma_start3A_349 = arith.constant 896 : i32
        %dma_start3A_350 = arith.constant 0 : i32
        %dma_start3A_351 = tpu.memref_slice %arg2[%dma_start3A_349, %dma_start3A_350] : memref<1000x128xf32, #tpu.memory_space<hbm>> -> memref<104x128xf32, #tpu.memory_space<hbm>>
        tpu.enqueue_dma source(%dma_start3A_351 : memref<104x128xf32, #tpu.memory_space<hbm>>) target(%dma_start3A_348 : memref<104x128xf32, #tpu.memory_space<vmem_shared>>) target_semaphore(%run_scoped3A : memref<!tpu.dma_semaphore, #tpu.memory_space<semaphore_mem>>)
        %dma_wait3A_352 = arith.constant 896 : i32
        %dma_wait3A_353 = arith.constant 0 : i32
        %dma_wait3A_354 = tpu.memref_slice %arg7[%dma_wait3A_352, %dma_wait3A_353] : memref<1000x128xf32, #tpu.memory_space<vmem_shared>> -> memref<104x128xf32, #tpu.memory_space<vmem_shared>>
        %dma_wait3A_355 = arith.constant 896 : i32
        %dma_wait3A_356 = arith.constant 0 : i32
        %dma_wait3A_357 = tpu.memref_slice %arg2[%dma_wait3A_355, %dma_wait3A_356] : memref<1000x128xf32, #tpu.memory_space<hbm>> -> memref<104x128xf32, #tpu.memory_space<hbm>>
        tpu.wait_dma2 semaphore(%run_scoped3A : memref<!tpu.dma_semaphore, #tpu.memory_space<semaphore_mem>>) src(%dma_wait3A_357 : memref<104x128xf32, #tpu.memory_space<hbm>>) dst(%dma_wait3A_354 : memref<104x128xf32, #tpu.memory_space<vmem_shared>>)
        tpu.yield
      }) : () -> ()
    } else {
    }
    %dma_wait3A = tpu.memref_slice %arg3[%mul3A_2] : memref<16384xi32, #tpu.memory_space<hbm>> -> memref<512xi32, #tpu.memory_space<hbm>>
    %dma_wait3A_41 = tpu.memref_slice %arg3[%mul3A_2] : memref<16384xi32, #tpu.memory_space<hbm>> -> memref<512xi32, #tpu.memory_space<hbm>>
    tpu.wait_dma2 semaphore(%arg17 : memref<!tpu.dma_semaphore, #tpu.memory_space<semaphore_mem>>) src(%dma_wait3A_41 : memref<512xi32, #tpu.memory_space<hbm>>) dst(%arg5 : memref<512xi32, #tpu.memory_space<vmem>>)
    %barrier3A = arith.constant 0 : index
    tpu.barrier barrier_id(%barrier3A)
    %dma_start3A_42 = arith.constant 0 : i32
    %dma_start3A_43 = arith.constant 0 : i32
    %dma_start3A_44 = tpu.memref_slice %arg6[%dma_start3A_42, %dma_start3A_43] : memref<512x128xf32, #tpu.memory_space<vmem>> -> memref<64x128xf32, #tpu.memory_space<vmem>>
    %dma_start3A_45 = arith.constant 0 : i32
    %dma_start3A_46 = tpu.memref_slice %arg5[%dma_start3A_45] : memref<512xi32, #tpu.memory_space<vmem>> -> memref<64xi32, #tpu.memory_space<vmem>>
    %dma_start3A_47 = arith.constant 0 : i32
    %dma_start3A_48 = arith.constant 0 : i32
    %dma_start3A_49 = tpu.memref_slice %arg7[%dma_start3A_47, %dma_start3A_48] : memref<1000x128xf32, #tpu.memory_space<vmem_shared>> -> memref<1000x128xf32, #tpu.memory_space<vmem_shared>>
    tpu.enqueue_indirect_dma source(%dma_start3A_49 : memref<1000x128xf32, #tpu.memory_space<vmem_shared>>) target(%dma_start3A_44 : memref<64x128xf32, #tpu.memory_space<vmem>>) offsets(%dma_start3A_46 : memref<64xi32, #tpu.memory_space<vmem>>) semaphore(%arg8 : memref<!tpu.dma_semaphore, #tpu.memory_space<semaphore_mem>>)
    %dma_start3A_50 = arith.constant 64 : i32
    %dma_start3A_51 = arith.constant 0 : i32
    %dma_start3A_52 = tpu.memref_slice %arg6[%dma_start3A_50, %dma_start3A_51] : memref<512x128xf32, #tpu.memory_space<vmem>> -> memref<64x128xf32, #tpu.memory_space<vmem>>
    %dma_start3A_53 = arith.constant 64 : i32
    %dma_start3A_54 = tpu.memref_slice %arg5[%dma_start3A_53] : memref<512xi32, #tpu.memory_space<vmem>> -> memref<64xi32, #tpu.memory_space<vmem>>
    %dma_start3A_55 = arith.constant 0 : i32
    %dma_start3A_56 = arith.constant 0 : i32
    %dma_start3A_57 = tpu.memref_slice %arg7[%dma_start3A_55, %dma_start3A_56] : memref<1000x128xf32, #tpu.memory_space<vmem_shared>> -> memref<1000x128xf32, #tpu.memory_space<vmem_shared>>
    tpu.enqueue_indirect_dma source(%dma_start3A_57 : memref<1000x128xf32, #tpu.memory_space<vmem_shared>>) target(%dma_start3A_52 : memref<64x128xf32, #tpu.memory_space<vmem>>) offsets(%dma_start3A_54 : memref<64xi32, #tpu.memory_space<vmem>>) semaphore(%arg9 : memref<!tpu.dma_semaphore, #tpu.memory_space<semaphore_mem>>)
    %dma_start3A_58 = arith.constant 128 : i32
    %dma_start3A_59 = arith.constant 0 : i32
    %dma_start3A_60 = tpu.memref_slice %arg6[%dma_start3A_58, %dma_start3A_59] : memref<512x128xf32, #tpu.memory_space<vmem>> -> memref<64x128xf32, #tpu.memory_space<vmem>>
    %dma_start3A_61 = arith.constant 128 : i32
    %dma_start3A_62 = tpu.memref_slice %arg5[%dma_start3A_61] : memref<512xi32, #tpu.memory_space<vmem>> -> memref<64xi32, #tpu.memory_space<vmem>>
    %dma_start3A_63 = arith.constant 0 : i32
    %dma_start3A_64 = arith.constant 0 : i32
    %dma_start3A_65 = tpu.memref_slice %arg7[%dma_start3A_63, %dma_start3A_64] : memref<1000x128xf32, #tpu.memory_space<vmem_shared>> -> memref<1000x128xf32, #tpu.memory_space<vmem_shared>>
    tpu.enqueue_indirect_dma source(%dma_start3A_65 : memref<1000x128xf32, #tpu.memory_space<vmem_shared>>) target(%dma_start3A_60 : memref<64x128xf32, #tpu.memory_space<vmem>>) offsets(%dma_start3A_62 : memref<64xi32, #tpu.memory_space<vmem>>) semaphore(%arg10 : memref<!tpu.dma_semaphore, #tpu.memory_space<semaphore_mem>>)
    %dma_start3A_66 = arith.constant 192 : i32
    %dma_start3A_67 = arith.constant 0 : i32
    %dma_start3A_68 = tpu.memref_slice %arg6[%dma_start3A_66, %dma_start3A_67] : memref<512x128xf32, #tpu.memory_space<vmem>> -> memref<64x128xf32, #tpu.memory_space<vmem>>
    %dma_start3A_69 = arith.constant 192 : i32
    %dma_start3A_70 = tpu.memref_slice %arg5[%dma_start3A_69] : memref<512xi32, #tpu.memory_space<vmem>> -> memref<64xi32, #tpu.memory_space<vmem>>
    %dma_start3A_71 = arith.constant 0 : i32
    %dma_start3A_72 = arith.constant 0 : i32
    %dma_start3A_73 = tpu.memref_slice %arg7[%dma_start3A_71, %dma_start3A_72] : memref<1000x128xf32, #tpu.memory_space<vmem_shared>> -> memref<1000x128xf32, #tpu.memory_space<vmem_shared>>
    tpu.enqueue_indirect_dma source(%dma_start3A_73 : memref<1000x128xf32, #tpu.memory_space<vmem_shared>>) target(%dma_start3A_68 : memref<64x128xf32, #tpu.memory_space<vmem>>) offsets(%dma_start3A_70 : memref<64xi32, #tpu.memory_space<vmem>>) semaphore(%arg11 : memref<!tpu.dma_semaphore, #tpu.memory_space<semaphore_mem>>)
    %dma_start3A_74 = arith.constant 256 : i32
    %dma_start3A_75 = arith.constant 0 : i32
    %dma_start3A_76 = tpu.memref_slice %arg6[%dma_start3A_74, %dma_start3A_75] : memref<512x128xf32, #tpu.memory_space<vmem>> -> memref<64x128xf32, #tpu.memory_space<vmem>>
    %dma_start3A_77 = arith.constant 256 : i32
    %dma_start3A_78 = tpu.memref_slice %arg5[%dma_start3A_77] : memref<512xi32, #tpu.memory_space<vmem>> -> memref<64xi32, #tpu.memory_space<vmem>>
    %dma_start3A_79 = arith.constant 0 : i32
    %dma_start3A_80 = arith.constant 0 : i32
    %dma_start3A_81 = tpu.memref_slice %arg7[%dma_start3A_79, %dma_start3A_80] : memref<1000x128xf32, #tpu.memory_space<vmem_shared>> -> memref<1000x128xf32, #tpu.memory_space<vmem_shared>>
    tpu.enqueue_indirect_dma source(%dma_start3A_81 : memref<1000x128xf32, #tpu.memory_space<vmem_shared>>) target(%dma_start3A_76 : memref<64x128xf32, #tpu.memory_space<vmem>>) offsets(%dma_start3A_78 : memref<64xi32, #tpu.memory_space<vmem>>) semaphore(%arg12 : memref<!tpu.dma_semaphore, #tpu.memory_space<semaphore_mem>>)
    %dma_start3A_82 = arith.constant 320 : i32
    %dma_start3A_83 = arith.constant 0 : i32
    %dma_start3A_84 = tpu.memref_slice %arg6[%dma_start3A_82, %dma_start3A_83] : memref<512x128xf32, #tpu.memory_space<vmem>> -> memref<64x128xf32, #tpu.memory_space<vmem>>
    %dma_start3A_85 = arith.constant 320 : i32
    %dma_start3A_86 = tpu.memref_slice %arg5[%dma_start3A_85] : memref<512xi32, #tpu.memory_space<vmem>> -> memref<64xi32, #tpu.memory_space<vmem>>
    %dma_start3A_87 = arith.constant 0 : i32
    %dma_start3A_88 = arith.constant 0 : i32
    %dma_start3A_89 = tpu.memref_slice %arg7[%dma_start3A_87, %dma_start3A_88] : memref<1000x128xf32, #tpu.memory_space<vmem_shared>> -> memref<1000x128xf32, #tpu.memory_space<vmem_shared>>
    tpu.enqueue_indirect_dma source(%dma_start3A_89 : memref<1000x128xf32, #tpu.memory_space<vmem_shared>>) target(%dma_start3A_84 : memref<64x128xf32, #tpu.memory_space<vmem>>) offsets(%dma_start3A_86 : memref<64xi32, #tpu.memory_space<vmem>>) semaphore(%arg13 : memref<!tpu.dma_semaphore, #tpu.memory_space<semaphore_mem>>)
    %dma_start3A_90 = arith.constant 384 : i32
    %dma_start3A_91 = arith.constant 0 : i32
    %dma_start3A_92 = tpu.memref_slice %arg6[%dma_start3A_90, %dma_start3A_91] : memref<512x128xf32, #tpu.memory_space<vmem>> -> memref<64x128xf32, #tpu.memory_space<vmem>>
    %dma_start3A_93 = arith.constant 384 : i32
    %dma_start3A_94 = tpu.memref_slice %arg5[%dma_start3A_93] : memref<512xi32, #tpu.memory_space<vmem>> -> memref<64xi32, #tpu.memory_space<vmem>>
    %dma_start3A_95 = arith.constant 0 : i32
    %dma_start3A_96 = arith.constant 0 : i32
    %dma_start3A_97 = tpu.memref_slice %arg7[%dma_start3A_95, %dma_start3A_96] : memref<1000x128xf32, #tpu.memory_space<vmem_shared>> -> memref<1000x128xf32, #tpu.memory_space<vmem_shared>>
    tpu.enqueue_indirect_dma source(%dma_start3A_97 : memref<1000x128xf32, #tpu.memory_space<vmem_shared>>) target(%dma_start3A_92 : memref<64x128xf32, #tpu.memory_space<vmem>>) offsets(%dma_start3A_94 : memref<64xi32, #tpu.memory_space<vmem>>) semaphore(%arg14 : memref<!tpu.dma_semaphore, #tpu.memory_space<semaphore_mem>>)
    %dma_start3A_98 = arith.constant 448 : i32
    %dma_start3A_99 = arith.constant 0 : i32
    %dma_start3A_100 = tpu.memref_slice %arg6[%dma_start3A_98, %dma_start3A_99] : memref<512x128xf32, #tpu.memory_space<vmem>> -> memref<64x128xf32, #tpu.memory_space<vmem>>
    %dma_start3A_101 = arith.constant 448 : i32
    %dma_start3A_102 = tpu.memref_slice %arg5[%dma_start3A_101] : memref<512xi32, #tpu.memory_space<vmem>> -> memref<64xi32, #tpu.memory_space<vmem>>
    %dma_start3A_103 = arith.constant 0 : i32
    %dma_start3A_104 = arith.constant 0 : i32
    %dma_start3A_105 = tpu.memref_slice %arg7[%dma_start3A_103, %dma_start3A_104] : memref<1000x128xf32, #tpu.memory_space<vmem_shared>> -> memref<1000x128xf32, #tpu.memory_space<vmem_shared>>
    tpu.enqueue_indirect_dma source(%dma_start3A_105 : memref<1000x128xf32, #tpu.memory_space<vmem_shared>>) target(%dma_start3A_100 : memref<64x128xf32, #tpu.memory_space<vmem>>) offsets(%dma_start3A_102 : memref<64xi32, #tpu.memory_space<vmem>>) semaphore(%arg15 : memref<!tpu.dma_semaphore, #tpu.memory_space<semaphore_mem>>)
    %dma_wait3A_106 = arith.constant 0 : i32
    %dma_wait3A_107 = arith.constant 0 : i32
    %dma_wait3A_108 = tpu.memref_slice %arg6[%dma_wait3A_106, %dma_wait3A_107] : memref<512x128xf32, #tpu.memory_space<vmem>> -> memref<64x128xf32, #tpu.memory_space<vmem>>
    %dma_wait3A_109 = arith.constant 0 : i32
    %dma_wait3A_110 = tpu.memref_slice %arg5[%dma_wait3A_109] : memref<512xi32, #tpu.memory_space<vmem>> -> memref<64xi32, #tpu.memory_space<vmem>>
    %dma_wait3A_111 = arith.constant 0 : i32
    %dma_wait3A_112 = arith.constant 0 : i32
    %dma_wait3A_113 = tpu.memref_slice %arg7[%dma_wait3A_111, %dma_wait3A_112] : memref<1000x128xf32, #tpu.memory_space<vmem_shared>> -> memref<1000x128xf32, #tpu.memory_space<vmem_shared>>
    tpu.wait_indirect_dma semaphore(%arg8 : memref<!tpu.dma_semaphore, #tpu.memory_space<semaphore_mem>>) src(%dma_wait3A_113 : memref<1000x128xf32, #tpu.memory_space<vmem_shared>>) dst(%dma_wait3A_108 : memref<64x128xf32, #tpu.memory_space<vmem>>)
    %add3A_114 = arith.constant 0 : i32
    %add3A_115 = arith.addi %mul3A_2, %add3A_114 : i32
    %dma_start3A_116 = arith.constant 0 : i32
    %dma_start3A_117 = arith.constant 0 : i32
    %dma_start3A_118 = tpu.memref_slice %arg6[%dma_start3A_116, %dma_start3A_117] : memref<512x128xf32, #tpu.memory_space<vmem>> -> memref<64x128xf32, #tpu.memory_space<vmem>>
    %dma_start3A_119 = arith.constant 0 : i32
    %dma_start3A_120 = tpu.memref_slice %arg4[%add3A_115, %dma_start3A_119] : memref<16384x128xf32, #tpu.memory_space<hbm>> -> memref<64x128xf32, #tpu.memory_space<hbm>>
    %dma_start3A_121 = arith.constant 0 : i32
    %dma_start3A_122 = tpu.memref_slice %arg4[%add3A_115, %dma_start3A_121] : memref<16384x128xf32, #tpu.memory_space<hbm>> -> memref<64x128xf32, #tpu.memory_space<hbm>>
    %dma_start3A_123 = arith.constant 0 : i32
    %dma_start3A_124 = arith.constant 0 : i32
    %dma_start3A_125 = tpu.memref_slice %arg6[%dma_start3A_123, %dma_start3A_124] : memref<512x128xf32, #tpu.memory_space<vmem>> -> memref<64x128xf32, #tpu.memory_space<vmem>>
    tpu.enqueue_dma source(%dma_start3A_125 : memref<64x128xf32, #tpu.memory_space<vmem>>) target(%dma_start3A_122 : memref<64x128xf32, #tpu.memory_space<hbm>>) target_semaphore(%arg16 : memref<!tpu.dma_semaphore, #tpu.memory_space<semaphore_mem>>)
    %dma_wait3A_126 = arith.constant 64 : i32
    %dma_wait3A_127 = arith.constant 0 : i32
    %dma_wait3A_128 = tpu.memref_slice %arg6[%dma_wait3A_126, %dma_wait3A_127] : memref<512x128xf32, #tpu.memory_space<vmem>> -> memref<64x128xf32, #tpu.memory_space<vmem>>
    %dma_wait3A_129 = arith.constant 64 : i32
    %dma_wait3A_130 = tpu.memref_slice %arg5[%dma_wait3A_129] : memref<512xi32, #tpu.memory_space<vmem>> -> memref<64xi32, #tpu.memory_space<vmem>>
    %dma_wait3A_131 = arith.constant 0 : i32
    %dma_wait3A_132 = arith.constant 0 : i32
    %dma_wait3A_133 = tpu.memref_slice %arg7[%dma_wait3A_131, %dma_wait3A_132] : memref<1000x128xf32, #tpu.memory_space<vmem_shared>> -> memref<1000x128xf32, #tpu.memory_space<vmem_shared>>
    tpu.wait_indirect_dma semaphore(%arg9 : memref<!tpu.dma_semaphore, #tpu.memory_space<semaphore_mem>>) src(%dma_wait3A_133 : memref<1000x128xf32, #tpu.memory_space<vmem_shared>>) dst(%dma_wait3A_128 : memref<64x128xf32, #tpu.memory_space<vmem>>)
    %add3A_134 = arith.constant 64 : i32
    %add3A_135 = arith.addi %mul3A_2, %add3A_134 : i32
    %dma_start3A_136 = arith.constant 64 : i32
    %dma_start3A_137 = arith.constant 0 : i32
    %dma_start3A_138 = tpu.memref_slice %arg6[%dma_start3A_136, %dma_start3A_137] : memref<512x128xf32, #tpu.memory_space<vmem>> -> memref<64x128xf32, #tpu.memory_space<vmem>>
    %dma_start3A_139 = arith.constant 0 : i32
    %dma_start3A_140 = tpu.memref_slice %arg4[%add3A_135, %dma_start3A_139] : memref<16384x128xf32, #tpu.memory_space<hbm>> -> memref<64x128xf32, #tpu.memory_space<hbm>>
    %dma_start3A_141 = arith.constant 0 : i32
    %dma_start3A_142 = tpu.memref_slice %arg4[%add3A_135, %dma_start3A_141] : memref<16384x128xf32, #tpu.memory_space<hbm>> -> memref<64x128xf32, #tpu.memory_space<hbm>>
    %dma_start3A_143 = arith.constant 64 : i32
    %dma_start3A_144 = arith.constant 0 : i32
    %dma_start3A_145 = tpu.memref_slice %arg6[%dma_start3A_143, %dma_start3A_144] : memref<512x128xf32, #tpu.memory_space<vmem>> -> memref<64x128xf32, #tpu.memory_space<vmem>>
    tpu.enqueue_dma source(%dma_start3A_145 : memref<64x128xf32, #tpu.memory_space<vmem>>) target(%dma_start3A_142 : memref<64x128xf32, #tpu.memory_space<hbm>>) target_semaphore(%arg16 : memref<!tpu.dma_semaphore, #tpu.memory_space<semaphore_mem>>)
    %dma_wait3A_146 = arith.constant 128 : i32
    %dma_wait3A_147 = arith.constant 0 : i32
    %dma_wait3A_148 = tpu.memref_slice %arg6[%dma_wait3A_146, %dma_wait3A_147] : memref<512x128xf32, #tpu.memory_space<vmem>> -> memref<64x128xf32, #tpu.memory_space<vmem>>
    %dma_wait3A_149 = arith.constant 128 : i32
    %dma_wait3A_150 = tpu.memref_slice %arg5[%dma_wait3A_149] : memref<512xi32, #tpu.memory_space<vmem>> -> memref<64xi32, #tpu.memory_space<vmem>>
    %dma_wait3A_151 = arith.constant 0 : i32
    %dma_wait3A_152 = arith.constant 0 : i32
    %dma_wait3A_153 = tpu.memref_slice %arg7[%dma_wait3A_151, %dma_wait3A_152] : memref<1000x128xf32, #tpu.memory_space<vmem_shared>> -> memref<1000x128xf32, #tpu.memory_space<vmem_shared>>
    tpu.wait_indirect_dma semaphore(%arg10 : memref<!tpu.dma_semaphore, #tpu.memory_space<semaphore_mem>>) src(%dma_wait3A_153 : memref<1000x128xf32, #tpu.memory_space<vmem_shared>>) dst(%dma_wait3A_148 : memref<64x128xf32, #tpu.memory_space<vmem>>)
    %add3A_154 = arith.constant 128 : i32
    %add3A_155 = arith.addi %mul3A_2, %add3A_154 : i32
    %dma_start3A_156 = arith.constant 128 : i32
    %dma_start3A_157 = arith.constant 0 : i32
    %dma_start3A_158 = tpu.memref_slice %arg6[%dma_start3A_156, %dma_start3A_157] : memref<512x128xf32, #tpu.memory_space<vmem>> -> memref<64x128xf32, #tpu.memory_space<vmem>>
    %dma_start3A_159 = arith.constant 0 : i32
    %dma_start3A_160 = tpu.memref_slice %arg4[%add3A_155, %dma_start3A_159] : memref<16384x128xf32, #tpu.memory_space<hbm>> -> memref<64x128xf32, #tpu.memory_space<hbm>>
    %dma_start3A_161 = arith.constant 0 : i32
    %dma_start3A_162 = tpu.memref_slice %arg4[%add3A_155, %dma_start3A_161] : memref<16384x128xf32, #tpu.memory_space<hbm>> -> memref<64x128xf32, #tpu.memory_space<hbm>>
    %dma_start3A_163 = arith.constant 128 : i32
    %dma_start3A_164 = arith.constant 0 : i32
    %dma_start3A_165 = tpu.memref_slice %arg6[%dma_start3A_163, %dma_start3A_164] : memref<512x128xf32, #tpu.memory_space<vmem>> -> memref<64x128xf32, #tpu.memory_space<vmem>>
    tpu.enqueue_dma source(%dma_start3A_165 : memref<64x128xf32, #tpu.memory_space<vmem>>) target(%dma_start3A_162 : memref<64x128xf32, #tpu.memory_space<hbm>>) target_semaphore(%arg16 : memref<!tpu.dma_semaphore, #tpu.memory_space<semaphore_mem>>)
    %dma_wait3A_166 = arith.constant 192 : i32
    %dma_wait3A_167 = arith.constant 0 : i32
    %dma_wait3A_168 = tpu.memref_slice %arg6[%dma_wait3A_166, %dma_wait3A_167] : memref<512x128xf32, #tpu.memory_space<vmem>> -> memref<64x128xf32, #tpu.memory_space<vmem>>
    %dma_wait3A_169 = arith.constant 192 : i32
    %dma_wait3A_170 = tpu.memref_slice %arg5[%dma_wait3A_169] : memref<512xi32, #tpu.memory_space<vmem>> -> memref<64xi32, #tpu.memory_space<vmem>>
    %dma_wait3A_171 = arith.constant 0 : i32
    %dma_wait3A_172 = arith.constant 0 : i32
    %dma_wait3A_173 = tpu.memref_slice %arg7[%dma_wait3A_171, %dma_wait3A_172] : memref<1000x128xf32, #tpu.memory_space<vmem_shared>> -> memref<1000x128xf32, #tpu.memory_space<vmem_shared>>
    tpu.wait_indirect_dma semaphore(%arg11 : memref<!tpu.dma_semaphore, #tpu.memory_space<semaphore_mem>>) src(%dma_wait3A_173 : memref<1000x128xf32, #tpu.memory_space<vmem_shared>>) dst(%dma_wait3A_168 : memref<64x128xf32, #tpu.memory_space<vmem>>)
    %add3A_174 = arith.constant 192 : i32
    %add3A_175 = arith.addi %mul3A_2, %add3A_174 : i32
    %dma_start3A_176 = arith.constant 192 : i32
    %dma_start3A_177 = arith.constant 0 : i32
    %dma_start3A_178 = tpu.memref_slice %arg6[%dma_start3A_176, %dma_start3A_177] : memref<512x128xf32, #tpu.memory_space<vmem>> -> memref<64x128xf32, #tpu.memory_space<vmem>>
    %dma_start3A_179 = arith.constant 0 : i32
    %dma_start3A_180 = tpu.memref_slice %arg4[%add3A_175, %dma_start3A_179] : memref<16384x128xf32, #tpu.memory_space<hbm>> -> memref<64x128xf32, #tpu.memory_space<hbm>>
    %dma_start3A_181 = arith.constant 0 : i32
    %dma_start3A_182 = tpu.memref_slice %arg4[%add3A_175, %dma_start3A_181] : memref<16384x128xf32, #tpu.memory_space<hbm>> -> memref<64x128xf32, #tpu.memory_space<hbm>>
    %dma_start3A_183 = arith.constant 192 : i32
    %dma_start3A_184 = arith.constant 0 : i32
    %dma_start3A_185 = tpu.memref_slice %arg6[%dma_start3A_183, %dma_start3A_184] : memref<512x128xf32, #tpu.memory_space<vmem>> -> memref<64x128xf32, #tpu.memory_space<vmem>>
    tpu.enqueue_dma source(%dma_start3A_185 : memref<64x128xf32, #tpu.memory_space<vmem>>) target(%dma_start3A_182 : memref<64x128xf32, #tpu.memory_space<hbm>>) target_semaphore(%arg16 : memref<!tpu.dma_semaphore, #tpu.memory_space<semaphore_mem>>)
    %dma_wait3A_186 = arith.constant 256 : i32
    %dma_wait3A_187 = arith.constant 0 : i32
    %dma_wait3A_188 = tpu.memref_slice %arg6[%dma_wait3A_186, %dma_wait3A_187] : memref<512x128xf32, #tpu.memory_space<vmem>> -> memref<64x128xf32, #tpu.memory_space<vmem>>
    %dma_wait3A_189 = arith.constant 256 : i32
    %dma_wait3A_190 = tpu.memref_slice %arg5[%dma_wait3A_189] : memref<512xi32, #tpu.memory_space<vmem>> -> memref<64xi32, #tpu.memory_space<vmem>>
    %dma_wait3A_191 = arith.constant 0 : i32
    %dma_wait3A_192 = arith.constant 0 : i32
    %dma_wait3A_193 = tpu.memref_slice %arg7[%dma_wait3A_191, %dma_wait3A_192] : memref<1000x128xf32, #tpu.memory_space<vmem_shared>> -> memref<1000x128xf32, #tpu.memory_space<vmem_shared>>
    tpu.wait_indirect_dma semaphore(%arg12 : memref<!tpu.dma_semaphore, #tpu.memory_space<semaphore_mem>>) src(%dma_wait3A_193 : memref<1000x128xf32, #tpu.memory_space<vmem_shared>>) dst(%dma_wait3A_188 : memref<64x128xf32, #tpu.memory_space<vmem>>)
    %add3A_194 = arith.constant 256 : i32
    %add3A_195 = arith.addi %mul3A_2, %add3A_194 : i32
    %dma_start3A_196 = arith.constant 256 : i32
    %dma_start3A_197 = arith.constant 0 : i32
    %dma_start3A_198 = tpu.memref_slice %arg6[%dma_start3A_196, %dma_start3A_197] : memref<512x128xf32, #tpu.memory_space<vmem>> -> memref<64x128xf32, #tpu.memory_space<vmem>>
    %dma_start3A_199 = arith.constant 0 : i32
    %dma_start3A_200 = tpu.memref_slice %arg4[%add3A_195, %dma_start3A_199] : memref<16384x128xf32, #tpu.memory_space<hbm>> -> memref<64x128xf32, #tpu.memory_space<hbm>>
    %dma_start3A_201 = arith.constant 0 : i32
    %dma_start3A_202 = tpu.memref_slice %arg4[%add3A_195, %dma_start3A_201] : memref<16384x128xf32, #tpu.memory_space<hbm>> -> memref<64x128xf32, #tpu.memory_space<hbm>>
    %dma_start3A_203 = arith.constant 256 : i32
    %dma_start3A_204 = arith.constant 0 : i32
    %dma_start3A_205 = tpu.memref_slice %arg6[%dma_start3A_203, %dma_start3A_204] : memref<512x128xf32, #tpu.memory_space<vmem>> -> memref<64x128xf32, #tpu.memory_space<vmem>>
    tpu.enqueue_dma source(%dma_start3A_205 : memref<64x128xf32, #tpu.memory_space<vmem>>) target(%dma_start3A_202 : memref<64x128xf32, #tpu.memory_space<hbm>>) target_semaphore(%arg16 : memref<!tpu.dma_semaphore, #tpu.memory_space<semaphore_mem>>)
    %dma_wait3A_206 = arith.constant 320 : i32
    %dma_wait3A_207 = arith.constant 0 : i32
    %dma_wait3A_208 = tpu.memref_slice %arg6[%dma_wait3A_206, %dma_wait3A_207] : memref<512x128xf32, #tpu.memory_space<vmem>> -> memref<64x128xf32, #tpu.memory_space<vmem>>
    %dma_wait3A_209 = arith.constant 320 : i32
    %dma_wait3A_210 = tpu.memref_slice %arg5[%dma_wait3A_209] : memref<512xi32, #tpu.memory_space<vmem>> -> memref<64xi32, #tpu.memory_space<vmem>>
    %dma_wait3A_211 = arith.constant 0 : i32
    %dma_wait3A_212 = arith.constant 0 : i32
    %dma_wait3A_213 = tpu.memref_slice %arg7[%dma_wait3A_211, %dma_wait3A_212] : memref<1000x128xf32, #tpu.memory_space<vmem_shared>> -> memref<1000x128xf32, #tpu.memory_space<vmem_shared>>
    tpu.wait_indirect_dma semaphore(%arg13 : memref<!tpu.dma_semaphore, #tpu.memory_space<semaphore_mem>>) src(%dma_wait3A_213 : memref<1000x128xf32, #tpu.memory_space<vmem_shared>>) dst(%dma_wait3A_208 : memref<64x128xf32, #tpu.memory_space<vmem>>)
    %add3A_214 = arith.constant 320 : i32
    %add3A_215 = arith.addi %mul3A_2, %add3A_214 : i32
    %dma_start3A_216 = arith.constant 320 : i32
    %dma_start3A_217 = arith.constant 0 : i32
    %dma_start3A_218 = tpu.memref_slice %arg6[%dma_start3A_216, %dma_start3A_217] : memref<512x128xf32, #tpu.memory_space<vmem>> -> memref<64x128xf32, #tpu.memory_space<vmem>>
    %dma_start3A_219 = arith.constant 0 : i32
    %dma_start3A_220 = tpu.memref_slice %arg4[%add3A_215, %dma_start3A_219] : memref<16384x128xf32, #tpu.memory_space<hbm>> -> memref<64x128xf32, #tpu.memory_space<hbm>>
    %dma_start3A_221 = arith.constant 0 : i32
    %dma_start3A_222 = tpu.memref_slice %arg4[%add3A_215, %dma_start3A_221] : memref<16384x128xf32, #tpu.memory_space<hbm>> -> memref<64x128xf32, #tpu.memory_space<hbm>>
    %dma_start3A_223 = arith.constant 320 : i32
    %dma_start3A_224 = arith.constant 0 : i32
    %dma_start3A_225 = tpu.memref_slice %arg6[%dma_start3A_223, %dma_start3A_224] : memref<512x128xf32, #tpu.memory_space<vmem>> -> memref<64x128xf32, #tpu.memory_space<vmem>>
    tpu.enqueue_dma source(%dma_start3A_225 : memref<64x128xf32, #tpu.memory_space<vmem>>) target(%dma_start3A_222 : memref<64x128xf32, #tpu.memory_space<hbm>>) target_semaphore(%arg16 : memref<!tpu.dma_semaphore, #tpu.memory_space<semaphore_mem>>)
    %dma_wait3A_226 = arith.constant 384 : i32
    %dma_wait3A_227 = arith.constant 0 : i32
    %dma_wait3A_228 = tpu.memref_slice %arg6[%dma_wait3A_226, %dma_wait3A_227] : memref<512x128xf32, #tpu.memory_space<vmem>> -> memref<64x128xf32, #tpu.memory_space<vmem>>
    %dma_wait3A_229 = arith.constant 384 : i32
    %dma_wait3A_230 = tpu.memref_slice %arg5[%dma_wait3A_229] : memref<512xi32, #tpu.memory_space<vmem>> -> memref<64xi32, #tpu.memory_space<vmem>>
    %dma_wait3A_231 = arith.constant 0 : i32
    %dma_wait3A_232 = arith.constant 0 : i32
    %dma_wait3A_233 = tpu.memref_slice %arg7[%dma_wait3A_231, %dma_wait3A_232] : memref<1000x128xf32, #tpu.memory_space<vmem_shared>> -> memref<1000x128xf32, #tpu.memory_space<vmem_shared>>
    tpu.wait_indirect_dma semaphore(%arg14 : memref<!tpu.dma_semaphore, #tpu.memory_space<semaphore_mem>>) src(%dma_wait3A_233 : memref<1000x128xf32, #tpu.memory_space<vmem_shared>>) dst(%dma_wait3A_228 : memref<64x128xf32, #tpu.memory_space<vmem>>)
    %add3A_234 = arith.constant 384 : i32
    %add3A_235 = arith.addi %mul3A_2, %add3A_234 : i32
    %dma_start3A_236 = arith.constant 384 : i32
    %dma_start3A_237 = arith.constant 0 : i32
    %dma_start3A_238 = tpu.memref_slice %arg6[%dma_start3A_236, %dma_start3A_237] : memref<512x128xf32, #tpu.memory_space<vmem>> -> memref<64x128xf32, #tpu.memory_space<vmem>>
    %dma_start3A_239 = arith.constant 0 : i32
    %dma_start3A_240 = tpu.memref_slice %arg4[%add3A_235, %dma_start3A_239] : memref<16384x128xf32, #tpu.memory_space<hbm>> -> memref<64x128xf32, #tpu.memory_space<hbm>>
    %dma_start3A_241 = arith.constant 0 : i32
    %dma_start3A_242 = tpu.memref_slice %arg4[%add3A_235, %dma_start3A_241] : memref<16384x128xf32, #tpu.memory_space<hbm>> -> memref<64x128xf32, #tpu.memory_space<hbm>>
    %dma_start3A_243 = arith.constant 384 : i32
    %dma_start3A_244 = arith.constant 0 : i32
    %dma_start3A_245 = tpu.memref_slice %arg6[%dma_start3A_243, %dma_start3A_244] : memref<512x128xf32, #tpu.memory_space<vmem>> -> memref<64x128xf32, #tpu.memory_space<vmem>>
    tpu.enqueue_dma source(%dma_start3A_245 : memref<64x128xf32, #tpu.memory_space<vmem>>) target(%dma_start3A_242 : memref<64x128xf32, #tpu.memory_space<hbm>>) target_semaphore(%arg16 : memref<!tpu.dma_semaphore, #tpu.memory_space<semaphore_mem>>)
    %dma_wait3A_246 = arith.constant 448 : i32
    %dma_wait3A_247 = arith.constant 0 : i32
    %dma_wait3A_248 = tpu.memref_slice %arg6[%dma_wait3A_246, %dma_wait3A_247] : memref<512x128xf32, #tpu.memory_space<vmem>> -> memref<64x128xf32, #tpu.memory_space<vmem>>
    %dma_wait3A_249 = arith.constant 448 : i32
    %dma_wait3A_250 = tpu.memref_slice %arg5[%dma_wait3A_249] : memref<512xi32, #tpu.memory_space<vmem>> -> memref<64xi32, #tpu.memory_space<vmem>>
    %dma_wait3A_251 = arith.constant 0 : i32
    %dma_wait3A_252 = arith.constant 0 : i32
    %dma_wait3A_253 = tpu.memref_slice %arg7[%dma_wait3A_251, %dma_wait3A_252] : memref<1000x128xf32, #tpu.memory_space<vmem_shared>> -> memref<1000x128xf32, #tpu.memory_space<vmem_shared>>
    tpu.wait_indirect_dma semaphore(%arg15 : memref<!tpu.dma_semaphore, #tpu.memory_space<semaphore_mem>>) src(%dma_wait3A_253 : memref<1000x128xf32, #tpu.memory_space<vmem_shared>>) dst(%dma_wait3A_248 : memref<64x128xf32, #tpu.memory_space<vmem>>)
    %add3A_254 = arith.constant 448 : i32
    %add3A_255 = arith.addi %mul3A_2, %add3A_254 : i32
    %dma_start3A_256 = arith.constant 448 : i32
    %dma_start3A_257 = arith.constant 0 : i32
    %dma_start3A_258 = tpu.memref_slice %arg6[%dma_start3A_256, %dma_start3A_257] : memref<512x128xf32, #tpu.memory_space<vmem>> -> memref<64x128xf32, #tpu.memory_space<vmem>>
    %dma_start3A_259 = arith.constant 0 : i32
    %dma_start3A_260 = tpu.memref_slice %arg4[%add3A_255, %dma_start3A_259] : memref<16384x128xf32, #tpu.memory_space<hbm>> -> memref<64x128xf32, #tpu.memory_space<hbm>>
    %dma_start3A_261 = arith.constant 0 : i32
    %dma_start3A_262 = tpu.memref_slice %arg4[%add3A_255, %dma_start3A_261] : memref<16384x128xf32, #tpu.memory_space<hbm>> -> memref<64x128xf32, #tpu.memory_space<hbm>>
    %dma_start3A_263 = arith.constant 448 : i32
    %dma_start3A_264 = arith.constant 0 : i32
    %dma_start3A_265 = tpu.memref_slice %arg6[%dma_start3A_263, %dma_start3A_264] : memref<512x128xf32, #tpu.memory_space<vmem>> -> memref<64x128xf32, #tpu.memory_space<vmem>>
    tpu.enqueue_dma source(%dma_start3A_265 : memref<64x128xf32, #tpu.memory_space<vmem>>) target(%dma_start3A_262 : memref<64x128xf32, #tpu.memory_space<hbm>>) target_semaphore(%arg16 : memref<!tpu.dma_semaphore, #tpu.memory_space<semaphore_mem>>)
    %dma_wait3A_266 = arith.constant 0 : i32
    %dma_wait3A_267 = arith.constant 0 : i32
    %dma_wait3A_268 = tpu.memref_slice %arg6[%dma_wait3A_266, %dma_wait3A_267] : memref<512x128xf32, #tpu.memory_space<vmem>> -> memref<64x128xf32, #tpu.memory_space<vmem>>
    %dma_wait3A_269 = arith.constant 0 : i32
    %dma_wait3A_270 = tpu.memref_slice %arg4[%add3A_115, %dma_wait3A_269] : memref<16384x128xf32, #tpu.memory_space<hbm>> -> memref<64x128xf32, #tpu.memory_space<hbm>>
    %dma_wait3A_271 = arith.constant 0 : i32
    %dma_wait3A_272 = tpu.memref_slice %arg4[%add3A_115, %dma_wait3A_271] : memref<16384x128xf32, #tpu.memory_space<hbm>> -> memref<64x128xf32, #tpu.memory_space<hbm>>
    %dma_wait3A_273 = arith.constant 0 : i32
    %dma_wait3A_274 = arith.constant 0 : i32
    %dma_wait3A_275 = tpu.memref_slice %arg6[%dma_wait3A_273, %dma_wait3A_274] : memref<512x128xf32, #tpu.memory_space<vmem>> -> memref<64x128xf32, #tpu.memory_space<vmem>>
    tpu.wait_dma2 semaphore(%arg16 : memref<!tpu.dma_semaphore, #tpu.memory_space<semaphore_mem>>) src(%dma_wait3A_275 : memref<64x128xf32, #tpu.memory_space<vmem>>) dst(%dma_wait3A_272 : memref<64x128xf32, #tpu.memory_space<hbm>>)
    %dma_wait3A_276 = arith.constant 64 : i32
    %dma_wait3A_277 = arith.constant 0 : i32
    %dma_wait3A_278 = tpu.memref_slice %arg6[%dma_wait3A_276, %dma_wait3A_277] : memref<512x128xf32, #tpu.memory_space<vmem>> -> memref<64x128xf32, #tpu.memory_space<vmem>>
    %dma_wait3A_279 = arith.constant 0 : i32
    %dma_wait3A_280 = tpu.memref_slice %arg4[%add3A_135, %dma_wait3A_279] : memref<16384x128xf32, #tpu.memory_space<hbm>> -> memref<64x128xf32, #tpu.memory_space<hbm>>
    %dma_wait3A_281 = arith.constant 0 : i32
    %dma_wait3A_282 = tpu.memref_slice %arg4[%add3A_135, %dma_wait3A_281] : memref<16384x128xf32, #tpu.memory_space<hbm>> -> memref<64x128xf32, #tpu.memory_space<hbm>>
    %dma_wait3A_283 = arith.constant 64 : i32
    %dma_wait3A_284 = arith.constant 0 : i32
    %dma_wait3A_285 = tpu.memref_slice %arg6[%dma_wait3A_283, %dma_wait3A_284] : memref<512x128xf32, #tpu.memory_space<vmem>> -> memref<64x128xf32, #tpu.memory_space<vmem>>
    tpu.wait_dma2 semaphore(%arg16 : memref<!tpu.dma_semaphore, #tpu.memory_space<semaphore_mem>>) src(%dma_wait3A_285 : memref<64x128xf32, #tpu.memory_space<vmem>>) dst(%dma_wait3A_282 : memref<64x128xf32, #tpu.memory_space<hbm>>)
    %dma_wait3A_286 = arith.constant 128 : i32
    %dma_wait3A_287 = arith.constant 0 : i32
    %dma_wait3A_288 = tpu.memref_slice %arg6[%dma_wait3A_286, %dma_wait3A_287] : memref<512x128xf32, #tpu.memory_space<vmem>> -> memref<64x128xf32, #tpu.memory_space<vmem>>
    %dma_wait3A_289 = arith.constant 0 : i32
    %dma_wait3A_290 = tpu.memref_slice %arg4[%add3A_155, %dma_wait3A_289] : memref<16384x128xf32, #tpu.memory_space<hbm>> -> memref<64x128xf32, #tpu.memory_space<hbm>>
    %dma_wait3A_291 = arith.constant 0 : i32
    %dma_wait3A_292 = tpu.memref_slice %arg4[%add3A_155, %dma_wait3A_291] : memref<16384x128xf32, #tpu.memory_space<hbm>> -> memref<64x128xf32, #tpu.memory_space<hbm>>
    %dma_wait3A_293 = arith.constant 128 : i32
    %dma_wait3A_294 = arith.constant 0 : i32
    %dma_wait3A_295 = tpu.memref_slice %arg6[%dma_wait3A_293, %dma_wait3A_294] : memref<512x128xf32, #tpu.memory_space<vmem>> -> memref<64x128xf32, #tpu.memory_space<vmem>>
    tpu.wait_dma2 semaphore(%arg16 : memref<!tpu.dma_semaphore, #tpu.memory_space<semaphore_mem>>) src(%dma_wait3A_295 : memref<64x128xf32, #tpu.memory_space<vmem>>) dst(%dma_wait3A_292 : memref<64x128xf32, #tpu.memory_space<hbm>>)
    %dma_wait3A_296 = arith.constant 192 : i32
    %dma_wait3A_297 = arith.constant 0 : i32
    %dma_wait3A_298 = tpu.memref_slice %arg6[%dma_wait3A_296, %dma_wait3A_297] : memref<512x128xf32, #tpu.memory_space<vmem>> -> memref<64x128xf32, #tpu.memory_space<vmem>>
    %dma_wait3A_299 = arith.constant 0 : i32
    %dma_wait3A_300 = tpu.memref_slice %arg4[%add3A_175, %dma_wait3A_299] : memref<16384x128xf32, #tpu.memory_space<hbm>> -> memref<64x128xf32, #tpu.memory_space<hbm>>
    %dma_wait3A_301 = arith.constant 0 : i32
    %dma_wait3A_302 = tpu.memref_slice %arg4[%add3A_175, %dma_wait3A_301] : memref<16384x128xf32, #tpu.memory_space<hbm>> -> memref<64x128xf32, #tpu.memory_space<hbm>>
    %dma_wait3A_303 = arith.constant 192 : i32
    %dma_wait3A_304 = arith.constant 0 : i32
    %dma_wait3A_305 = tpu.memref_slice %arg6[%dma_wait3A_303, %dma_wait3A_304] : memref<512x128xf32, #tpu.memory_space<vmem>> -> memref<64x128xf32, #tpu.memory_space<vmem>>
    tpu.wait_dma2 semaphore(%arg16 : memref<!tpu.dma_semaphore, #tpu.memory_space<semaphore_mem>>) src(%dma_wait3A_305 : memref<64x128xf32, #tpu.memory_space<vmem>>) dst(%dma_wait3A_302 : memref<64x128xf32, #tpu.memory_space<hbm>>)
    %dma_wait3A_306 = arith.constant 256 : i32
    %dma_wait3A_307 = arith.constant 0 : i32
    %dma_wait3A_308 = tpu.memref_slice %arg6[%dma_wait3A_306, %dma_wait3A_307] : memref<512x128xf32, #tpu.memory_space<vmem>> -> memref<64x128xf32, #tpu.memory_space<vmem>>
    %dma_wait3A_309 = arith.constant 0 : i32
    %dma_wait3A_310 = tpu.memref_slice %arg4[%add3A_195, %dma_wait3A_309] : memref<16384x128xf32, #tpu.memory_space<hbm>> -> memref<64x128xf32, #tpu.memory_space<hbm>>
    %dma_wait3A_311 = arith.constant 0 : i32
    %dma_wait3A_312 = tpu.memref_slice %arg4[%add3A_195, %dma_wait3A_311] : memref<16384x128xf32, #tpu.memory_space<hbm>> -> memref<64x128xf32, #tpu.memory_space<hbm>>
    %dma_wait3A_313 = arith.constant 256 : i32
    %dma_wait3A_314 = arith.constant 0 : i32
    %dma_wait3A_315 = tpu.memref_slice %arg6[%dma_wait3A_313, %dma_wait3A_314] : memref<512x128xf32, #tpu.memory_space<vmem>> -> memref<64x128xf32, #tpu.memory_space<vmem>>
    tpu.wait_dma2 semaphore(%arg16 : memref<!tpu.dma_semaphore, #tpu.memory_space<semaphore_mem>>) src(%dma_wait3A_315 : memref<64x128xf32, #tpu.memory_space<vmem>>) dst(%dma_wait3A_312 : memref<64x128xf32, #tpu.memory_space<hbm>>)
    %dma_wait3A_316 = arith.constant 320 : i32
    %dma_wait3A_317 = arith.constant 0 : i32
    %dma_wait3A_318 = tpu.memref_slice %arg6[%dma_wait3A_316, %dma_wait3A_317] : memref<512x128xf32, #tpu.memory_space<vmem>> -> memref<64x128xf32, #tpu.memory_space<vmem>>
    %dma_wait3A_319 = arith.constant 0 : i32
    %dma_wait3A_320 = tpu.memref_slice %arg4[%add3A_215, %dma_wait3A_319] : memref<16384x128xf32, #tpu.memory_space<hbm>> -> memref<64x128xf32, #tpu.memory_space<hbm>>
    %dma_wait3A_321 = arith.constant 0 : i32
    %dma_wait3A_322 = tpu.memref_slice %arg4[%add3A_215, %dma_wait3A_321] : memref<16384x128xf32, #tpu.memory_space<hbm>> -> memref<64x128xf32, #tpu.memory_space<hbm>>
    %dma_wait3A_323 = arith.constant 320 : i32
    %dma_wait3A_324 = arith.constant 0 : i32
    %dma_wait3A_325 = tpu.memref_slice %arg6[%dma_wait3A_323, %dma_wait3A_324] : memref<512x128xf32, #tpu.memory_space<vmem>> -> memref<64x128xf32, #tpu.memory_space<vmem>>
    tpu.wait_dma2 semaphore(%arg16 : memref<!tpu.dma_semaphore, #tpu.memory_space<semaphore_mem>>) src(%dma_wait3A_325 : memref<64x128xf32, #tpu.memory_space<vmem>>) dst(%dma_wait3A_322 : memref<64x128xf32, #tpu.memory_space<hbm>>)
    %dma_wait3A_326 = arith.constant 384 : i32
    %dma_wait3A_327 = arith.constant 0 : i32
    %dma_wait3A_328 = tpu.memref_slice %arg6[%dma_wait3A_326, %dma_wait3A_327] : memref<512x128xf32, #tpu.memory_space<vmem>> -> memref<64x128xf32, #tpu.memory_space<vmem>>
    %dma_wait3A_329 = arith.constant 0 : i32
    %dma_wait3A_330 = tpu.memref_slice %arg4[%add3A_235, %dma_wait3A_329] : memref<16384x128xf32, #tpu.memory_space<hbm>> -> memref<64x128xf32, #tpu.memory_space<hbm>>
    %dma_wait3A_331 = arith.constant 0 : i32
    %dma_wait3A_332 = tpu.memref_slice %arg4[%add3A_235, %dma_wait3A_331] : memref<16384x128xf32, #tpu.memory_space<hbm>> -> memref<64x128xf32, #tpu.memory_space<hbm>>
    %dma_wait3A_333 = arith.constant 384 : i32
    %dma_wait3A_334 = arith.constant 0 : i32
    %dma_wait3A_335 = tpu.memref_slice %arg6[%dma_wait3A_333, %dma_wait3A_334] : memref<512x128xf32, #tpu.memory_space<vmem>> -> memref<64x128xf32, #tpu.memory_space<vmem>>
    tpu.wait_dma2 semaphore(%arg16 : memref<!tpu.dma_semaphore, #tpu.memory_space<semaphore_mem>>) src(%dma_wait3A_335 : memref<64x128xf32, #tpu.memory_space<vmem>>) dst(%dma_wait3A_332 : memref<64x128xf32, #tpu.memory_space<hbm>>)
    %dma_wait3A_336 = arith.constant 448 : i32
    %dma_wait3A_337 = arith.constant 0 : i32
    %dma_wait3A_338 = tpu.memref_slice %arg6[%dma_wait3A_336, %dma_wait3A_337] : memref<512x128xf32, #tpu.memory_space<vmem>> -> memref<64x128xf32, #tpu.memory_space<vmem>>
    %dma_wait3A_339 = arith.constant 0 : i32
    %dma_wait3A_340 = tpu.memref_slice %arg4[%add3A_255, %dma_wait3A_339] : memref<16384x128xf32, #tpu.memory_space<hbm>> -> memref<64x128xf32, #tpu.memory_space<hbm>>
    %dma_wait3A_341 = arith.constant 0 : i32
    %dma_wait3A_342 = tpu.memref_slice %arg4[%add3A_255, %dma_wait3A_341] : memref<16384x128xf32, #tpu.memory_space<hbm>> -> memref<64x128xf32, #tpu.memory_space<hbm>>
    %dma_wait3A_343 = arith.constant 448 : i32
    %dma_wait3A_344 = arith.constant 0 : i32
    %dma_wait3A_345 = tpu.memref_slice %arg6[%dma_wait3A_343, %dma_wait3A_344] : memref<512x128xf32, #tpu.memory_space<vmem>> -> memref<64x128xf32, #tpu.memory_space<vmem>>
    tpu.wait_dma2 semaphore(%arg16 : memref<!tpu.dma_semaphore, #tpu.memory_space<semaphore_mem>>) src(%dma_wait3A_345 : memref<64x128xf32, #tpu.memory_space<vmem>>) dst(%dma_wait3A_342 : memref<64x128xf32, #tpu.memory_space<hbm>>)
    return
  }
}

</mosaic_0001>

<sc_bundles>
// kernel: kernel.3.cloned.1.call-start
scs
__scs_entry_jumppad:
0x0: {  	(pc) =	sbr.rel $0x88, $3  }
0x1: {  	(tag) =	ssettag $0x0;
	lr =	simm.s32 $0x1  }
0x2: {  	[smem:$0x3F9F] =	sst lr;
	_ =	strace $0xD0000000  }
0x3: {  	_ = 	snop  }
0x4: {  	_ = 	snop  }
0x5: {  	_ = 	snop  }
0x6: {  	_ = 	snop  }
0x7: {  	_ = 	snop  }
__scs_overlays_trampoline_lowered:
0x8: {  	[smem:$0x3FAE] =	sst s0  }
0x9: {  	[smem:$0x3FAF] =	sst s1  }
0xa: {  	[smem:$0x3FB0] =	sst s2  }
0xb: {  	[smem:$0x3FB1] =	sst s3  }
0xc: {  	[smem:$0x3FB2] =	sst s4  }
0xd: {  	[smem:$0x3FB3] =	sst s5  }
0xe: {  	[smem:$0x3FB4] =	sst s6  }
0xf: {  	[smem:$0x3FB5] =	sst s7  }
0x10: {  	[smem:$0x3FB6] =	sst s8  }
0x11: {  	[smem:$0x3FB7] =	sst s9;
	s0 =	simm.s32 @!p0 $0x0  }
0x12: {  	s1 =	sld [smem:$0x3F9D];
	s0 =	simm.s32 @p0 $0x1  }
0x13: {  	[smem:$0x3FB8] =	sst s0;
	s0 =	simm.s32 @!p1 $0x0  }
0x14: {  	s2 =	sld [smem:$0x3F9C];
	s0 =	simm.s32 @p1 $0x1  }
0x15: {  	[smem:$0x3FB9] =	sst s0;
	s0 =	simm.s32 @!p2 $0x0  }
0x16: {  	s3 =	sld [smem:$0x3FDB];
	s0 =	simm.s32 @p2 $0x1  }
0x17: {  	s4 =	simm.s32 $0x1BF5;
	[smem:$0x3FBB] =	sst s0  }
0x18: {  	s0 =	sld [smem:$0x3F9E];
	_ =	swait.ge [sflag:s4], $0x0  }
0x19: {  	s7 =	sld [smem:$0x3F9F]  }
0x1a: {  	s8 =	sadd.s32 $0xFFFFE003, lr  }
0x1b: {  	s9 =	sadd.s32 $0xFFFFFEF7, lr;
	s5 =	simm.s32 $0xFFFFFFFF;
	p2 =	slt.u32 s8, $0xFFFFF086  }
0x1c: {  	p1 =	slt.u32 s9, $0xF7A;
	s5 =	simm.s32 @!p2 $0x0  }
0x1d: {  	s5 =	simm.s32 @p1 $0x1;
	p0 =	seq.s32 s7, s2  }
0x1e: {  	s7 =	smul.u32 @!p0 $0xF7A, s2;
	p2 =	seq.s32 @!p0 s5, $0x0  }
0x1f: {  	s9 =	smul.u32 $0xF7A, s1;
	s8 =	simm.s32 @!p0 $0x1BF5;
	p2 =	por !p2, p0  }
0x20: {  	[sflag:s8] =	ssyncset.s32 @!p0 $0xFFFFF086;
	s6 =	sadd.s32 @!p0 s3, s7;
	s7 =	simm.s32 @!p0 $0x108  }
0x21: {  	s3 =	sadd.s32 s3, s9;
	s6 =	sadd.s32 @!p0 $0x88, s6;
	s7 =	simm.s32 @p2 $0x1082  }
0x22: {  	[simem:s7], [sflag:s8] =	dma.local @!p0 [hbm:s6], $0xF7A  }
0x23: {  	s9 =	sor.u32 $0xD0000000, s2;
	s6 =	simm.s32 $0x108;
	_ =	swait.ge @!p0 [sflag:s8], $0x0  }
0x24: {  	s3 =	sadd.s32 $0x88, s3;
	s6 =	simm.s32 @!p1 $0x1082;
	[sflag:s4] =	ssyncset.s32 $0xFFFFF086  }
0x25: {  	[simem:s6], [sflag:s4] =	dma.local [hbm:s3], $0xF7A  }
0x26: {  	[smem:$0x3F9F] =	sst s1;
	(tag) =	ssettag s2;
	_ =	strace s9  }
0x27: {  	s1 =	sld [smem:$0x3FAF]  }
0x28: {  	s2 =	sld [smem:$0x3FB0]  }
0x29: {  	s4 =	sld [smem:$0x3FB2]  }
0x2a: {  	p0 =	seq.s32 s5, $0x0;
	s5 =	sld [smem:$0x3FB3]  }
0x2b: {  	s6 =	sld [smem:$0x3FB4]  }
0x2c: {  	s7 =	sld [smem:$0x3FB5]  }
0x2d: {  	s3 =	simm.s32 $0x108;
	s8 =	sld [smem:$0x3FB6]  }
0x2e: {  	s3 =	simm.s32 @!p0 $0x1082;
	s9 =	sld [smem:$0x3FB7]  }
0x2f: {  	lr =	sadd.s32 s0, s3;
	s0 =	sld [smem:$0x3FAE]  }
0x30: {  	s3 =	sld [smem:$0x3FB1]  }
0x31: {  	[smem:$0x3FBA] =	sst s10  }
0x32: {  	s10 =	sld [smem:$0x3FB8];
	_ =	sdelay $0x3  }
0x33: {  	p0 =	seq.s32 s10, $0x1;
	s10 =	sld [smem:$0x3FBA];
	_ =	sdelay $0x3  }
0x34: {  	[smem:$0x3FBA] =	sst s10  }
0x35: {  	s10 =	sld [smem:$0x3FB9];
	_ =	sdelay $0x3  }
0x36: {  	p1 =	seq.s32 s10, $0x1;
	s10 =	sld [smem:$0x3FBA];
	_ =	sdelay $0x3  }
0x37: {  	[smem:$0x3FBA] =	sst s10  }
0x38: {  	s10 =	sld [smem:$0x3FBB]  }
0x39: {  	_ = 	snop;
	(pc) =	sbr.ind lr, $3  }
0x3a: {  	_ = 	snop  }
0x3b: {  	_ = 	snop  }
0x3c: {  	p2 =	seq.s32 s10, $0x1;
	s10 =	sld [smem:$0x3FBA]  }
0x3d: {  	_ =	shalt  }
0x3e: {  	_ =	shalt  }
0x3f: {  	_ =	shalt  }
0x40: {  	_ =	shalt  }
0x41: {  	_ =	shalt  }
0x42: {  	_ =	shalt  }
0x43: {  	_ =	shalt  }
0x44: {  	_ =	shalt  }
0x45: {  	_ =	shalt  }
0x46: {  	_ =	shalt  }
0x47: {  	_ =	shalt  }
0x48: {  	_ =	shalt  }
0x49: {  	_ =	shalt  }
0x4a: {  	_ =	shalt  }
0x4b: {  	_ =	shalt  }
0x4c: {  	_ =	shalt  }
0x4d: {  	_ =	shalt  }
0x4e: {  	_ =	shalt  }
0x4f: {  	_ =	shalt  }
0x50: {  	_ =	shalt  }
0x51: {  	_ =	shalt  }
0x52: {  	_ =	shalt  }
0x53: {  	_ =	shalt  }
0x54: {  	_ =	shalt  }
0x55: {  	_ =	shalt  }
0x56: {  	_ =	shalt  }
0x57: {  	_ =	shalt  }
0x58: {  	_ =	shalt  }
0x59: {  	_ =	shalt  }
0x5a: {  	_ =	shalt  }
0x5b: {  	_ =	shalt  }
0x5c: {  	_ =	shalt  }
0x5d: {  	_ =	shalt  }
0x5e: {  	_ =	shalt  }
0x5f: {  	_ =	shalt  }
0x60: {  	_ =	shalt  }
0x61: {  	_ =	shalt  }
0x62: {  	_ =	shalt  }
0x63: {  	_ =	shalt  }
0x64: {  	_ =	shalt  }
0x65: {  	_ =	shalt  }
0x66: {  	_ =	shalt  }
0x67: {  	_ =	shalt  }
0x68: {  	_ =	shalt  }
0x69: {  	_ =	shalt  }
0x6a: {  	_ =	shalt  }
0x6b: {  	_ =	shalt  }
0x6c: {  	_ =	shalt  }
0x6d: {  	_ =	shalt  }
0x6e: {  	_ =	shalt  }
0x6f: {  	_ =	shalt  }
0x70: {  	_ =	shalt  }
0x71: {  	_ =	shalt  }
0x72: {  	_ =	shalt  }
0x73: {  	_ =	shalt  }
0x74: {  	_ =	shalt  }
0x75: {  	_ =	shalt  }
0x76: {  	_ =	shalt  }
0x77: {  	_ =	shalt  }
0x78: {  	_ =	shalt  }
0x79: {  	_ =	shalt  }
0x7a: {  	_ =	shalt  }
0x7b: {  	_ =	shalt  }
0x7c: {  	_ =	shalt  }
0x7d: {  	_ =	shalt  }
0x7e: {  	_ =	shalt  }
0x7f: {  	_ =	shalt  }
0x80: {  	_ =	shalt  }
0x81: {  	_ =	shalt  }
0x82: {  	_ =	shalt  }
0x83: {  	_ =	shalt  }
0x84: {  	_ =	shalt  }
0x85: {  	_ =	shalt  }
0x86: {  	_ =	shalt  }
0x87: {  	_ =	shalt  }
.Lfunc_end0:
.L_simem_size_0:
called_computation_lowered:
.L_overlay_start_0:
0x88: {  	s2 =	sld [smem:$0x3FD9]  }
0x89: {  	s3 =	sld [smem:$0x3FFE];
	_ =	sdelay $0x1  }
0x8a: {  	s1 =	srdreg.scid  }
0x8b: {  	s0 =	sand.u32 $0x1, s1  }
0x8c: {  	s18 =	sshll.u32 s0, $0xA;
	s2 =	sadd.s32 s3, s2  }
0x8d: {  	s2 =	sadd.s32 s2, s18  }
0x8e: {  	[smem:$0x3FC6] =	sst s2  }
0x8f: {  	_ = 	snop  }
0x90: {  	s2 =	sld [smem:$0x3FC9]  }
0x91: {  	s19 =	sld [smem:$0x3FC8]  }
0x92: {  	s4 =	sld [smem:$0x3FD0];
	(tm) =	ssettm $0x1  }
0x93: {  	s5 =	sld [smem:$0x3FFB];
	_ =	sdelay $0x3  }
0x94: {  	_ =	strace s5  }
0x95: {  	s5 =	sld [smem:$0x3FFC];
	_ =	sdelay $0x3  }
0x96: {  	_ =	strace s5  }
0x97: {  	s5 =	sld [smem:$0x3FFD];
	_ =	sdelay $0x3  }
0x98: {  	_ =	strace s5  }
0x99: {  	_ =	strace $0x8FFFFFFF  }
0x9a: {  	s20 =	sld [smem:$0x3FDB];
	_ =	sdelay $0x1  }
0x9b: {  	s6 =	simm.s32 $_scs_section_size  }
0x9c: {  	s7 =	simm.s32 $_size__tile_overlayer_lowered;
	s8 =	simm.s32 $_tile_overlayer_lowered  }
0x9d: {  	s23 =	simm.s32 $0x1BFF;
	s22 =	sshll.u32 s8, $0x1;
	s5 =	sadd.s32 s6, s20  }
0x9e: {  	s9 =	simm.s32 $0x0;
	s21 =	sshll.u32 s7, $0x1;
	s7 =	sadd.s32 s22, s5  }
0x9f: {  	[timem:s9], [sflag:s23] =	dma.local [hbm:s7], s21  }
0xa0: {  	_ =	swait.ge [sflag:s23], s21  }
0xa1: {  	s6 =	ssub.s32 $0x0, s21;
	[sflag:s23] =	ssyncset.done $0x0  }
0xa2: {  	[sflag:s23] =	ssyncadd.s32 s6;
	_ =	sdelay $0x1  }
0xa3: {  	s24 =	simm.s32 $0x1B8B  }
0xa4: {  	_ =	swait.ge [sflag:s24], $0x1  }
0xa5: {  	[sflag:s24] =	ssyncset.done $0x0  }
0xa6: {  	s25 =	simm.s32 $0x1B8E;
	[sflag:s24] =	ssyncadd.s32 $0xFFFFFFFF  }
0xa7: {  	s26 =	simm.s32 $execute0_lowered;
	[smem:$0x3FD2] =	sst s25  }
0xa8: {  	s6 =	sshll.u32 s26, $0x1;
	_ =	strace $0x80000046;
	[dreg:$0x1] =	wrdreg $0xFFFFFFFF  }
0xa9: {  	s28 =	simm.s32 $_size_execute0_lowered;
	s5 =	sadd.s32 s5, s6;
	[dreg:$0x0] =	wrdreg $0x0  }
0xaa: {  	s6 =	sshll.u32 s28, $0x1;
	[dreg:$0x2] =	wrdreg s5  }
0xab: {  	[dreg:$0x3] =	wrdreg s6  }
0xac: {  	[dreg:$0x4] =	wrdreg $0xC0  }
0xad: {  	_ =	task [dreg:s9], $0x5FFFF  }
0xae: {  	[dreg:$0x1] =	wrdreg $0xFFFFFFFF  }
0xaf: {  	[dreg:$0x0] =	wrdreg $0x60  }
0xb0: {  	[dreg:$0x2] =	wrdreg s2  }
0xb1: {  	[dreg:$0x3] =	wrdreg s19  }
0xb2: {  	[dreg:$0x4] =	wrdreg s4  }
0xb3: {  	[dreg:$0x5] =	wrdreg $0x102000  }
0xb4: {  	[dreg:$0x6] =	wrdreg $0x9  }
0xb5: {  	_ =	task.clear_ibuf [dreg:s9], $0x7FFFF;
	_ =	strace $0x90000046  }
0xb6: {  	s29 =	simm.s32 $0x9;
	_ =	strace $0x80000048  }
0xb7: {  	_ =	swait.ge [sflag:s29], $0x1  }
0xb8: {  	[sflag:s29] =	ssyncadd.s32 $0xFFFFFFFF  }
0xb9: {  	_ =	strace $0x90000048  }
0xba: {  	_ =	sfence  }
0xbb: {  	s30 =	sld [smem:$0x0];
	_ =	sdelay $0x2  }
0xbc: {  	s31 =	sshll.u32 s1, $0xD;
	s1 =	sshrl.u32 s1, $0x2  }
0xbd: {  	s3 =	sand.u32 $0x4000, s31;
	s1 =	sadd.s32 s1, s30  }
0xbe: {  	s0 =	sor.u32 s3, s0;
	s1 =	sshll.u32 s1, $0x11  }
0xbf: {  	s0 =	sor.u32 s1, s0  }
0xc0: {  	s0 =	sadd.s32 $0x8F2B, s0  }
0xc1: {  	[sflag:s0] =	ssyncadd.remote.s32 $0x1  }
0xc2: {  	_ =	sfence.sel $0xFFFF  }
0xc3: {  	[dreg:$0x0] =	wrdreg $0xFFFFFFFF;
	(pc) =	sbr.abs _section_cstart, $3  }
0xc4: {  	[dreg:$0x1] =	wrdreg $0xFFFFFFFF  }
0xc5: {  	_ =	task.clear_ibuf [dreg:s9], $0x2FFFF;
	_ =	strace $0x9FFFFFFF  }
0xc6: {  	(tm) =	ssettm $0x7FFFFFFF  }
0xc7: {  	_ =	shalt  }
tec
execute0_lowered:
.L_overlay_start_1:
0x0: {  	(tag) =	ssettag $0x1  }
0x1: {  	s14 =	stileid.u32  }
0x2: {  	p3 =	sgt.s32 s14, $0x1  }
0x3: {  	p0 =	seq.s32 @p3 s14, $0x2  }
0x4: {  	p1 =	por p0, !p3  }
0x5: {  	p2 =	por !p0, !p3;
	p1 =	seq.s32 @!p1 s14, $0x3  }
0x6: {  	s2 =	simm.s32 @!p2 $0x0;
	p0 =	por @p3 !p1, p0  }
0x7: {  	s2 =	simm.s32 @p2 $0x1;
	p0 =	por p0, !p3  }
0x8: {  	[smem:$0x7FB] =	sst s2;
	s2 =	simm.s32 @!p0 $0x0  }
0x9: {  	s2 =	simm.s32 @p0 $0x1;
	p0 =	sgt.s32 s14, $0x5  }
0xa: {  	p6 =	seq.s32 @!p0 s14, $0x4  }
0xb: {  	p1 =	por p6, p0  }
0xc: {  	p4 =	seq.s32 @!p3 s14, $0x0;
	s3 =	simm.s32 @!p1 $0x0  }
0xd: {  	p2 =	por p4, p3;
	s3 =	simm.s32 @p1 $0x1  }
0xe: {  	p5 =	seq.s32 @!p2 s14, $0x1;
	p2 =	por !p4, p3;
	[smem:$0x7F9] =	sst s3  }
0xf: {  	p4 =	por @!p3 !p5, p4;
	p5 =	seq.s32 @p0 s14, $0x6;
	s3 =	sld [smem:$0x7F9]  }
0x10: {  	s15 =	rddreg [dreg:$0x0];
	p3 =	por p4, p3;
	p4 =	por p5, !p0  }
0x11: {  	s0 =	rddreg [dreg:$0x1];
	p4 =	seq.s32 @!p4 s14, $0x7  }
0x12: {  	p1 =	por @p0 !p4, p5;
	p4 =	por !p5, !p0;
	p5 =	seq.s32 s3, $0x1  }
0x13: {  	s1 =	rddreg [dreg:$0x2];
	s12 =	srdreg.scid;
	p5 =	seq.s32 @!p5 s14, $0x5  }
0x14: {  	s4 =	simm.s32 $0x0;
	s30 =	simm.s32 $0xA;
	s3 =	simm.s32 @!p5 $0x0  }
0x15: {  	[smem:$0x7FC] =	sst s2;
	s2 =	sand.u32 $0x1, s12;
	s3 =	simm.s32 @p5 $0x1  }
0x16: {  	s5 =	sshll.u32 s14, $0xA;
	s6 =	sshll.u32 s2, $0x9;
	[smem:$0x7FA] =	sst s3  }
0x17: {  	s31 =	simm.s32 $0x40;
	s6 =	sor.u32 s6, s5;
	s3 =	sld [smem:$0x7FA]  }
0x18: {  	[smem:$0x7FF] =	sst s4;
	s16 =	sadd.s32 $0x3800, s15;
	s7 =	sshrl.u32 s6, $0x3  }
0x19: {  	s17 =	sadd.s32 $0x3000, s15;
	s18 =	sadd.s32 $0x2800, s15;
	s0 =	sadd.s32 s0, s7  }
0x1a: {  	p5 =	por p1, !p0;
	p1 =	seq.s32 s3, $0x1;
	s3 =	rddreg [dreg:$0x3]  }
0x1b: {  	s19 =	sadd.s32 $0x2000, s15;
	_ =	strace $0x80000047;
	[dreg:$0x5] =	wrdreg s0  }
0x1c: {  	s20 =	sadd.s32 $0x1800, s15;
	s21 =	sadd.s32 $0x1000, s15;
	[dreg:$0x6] =	wrdreg s16  }
0x1d: {  	s22 =	sadd.s32 $0x800, s15;
	s2 =	ssub.s32 $0x2, s2;
	[dreg:$0x7] =	wrdreg s17  }
0x1e: {  	s13 =	sshrl.u32 s2, $0x1;
	s6 =	sshll.u32 s6, $0x4;
	[dreg:$0x8] =	wrdreg s18  }
0x1f: {  	s2 =	ssub.s32 s2, s13;
	s12 =	sadd.s32 s1, s6;
	[dreg:$0x9] =	wrdreg s19  }
0x20: {  	s6 =	simm.s32 $0x4200;
	s15 =	sadd.s32 $0x400, s12;
	[dreg:$0xa] =	wrdreg s20  }
0x21: {  	s26 =	sadd.s32 $0x1000, s12;
	s25 =	sadd.s32 $0x1400, s12;
	[dreg:$0xb] =	wrdreg s21  }
0x22: {  	s28 =	sadd.s32 $0x1800, s12;
	s29 =	sadd.s32 $0x1C00, s12;
	[dreg:$0xc] =	wrdreg s22  }
0x23: {  	s16 =	sadd.s32 $0x800, s12;
	s17 =	sadd.s32 $0xC00, s12;
	[dreg:$0x14] =	wrdreg s25  }
0x24: {  	s18 =	smax.u32 s2, $0x1;
	[dreg:$0x15] =	wrdreg s28;
	s2 =	simm.s32 $0x200  }
0x25: {  	s20 =	simm.s32 $0xC200;
	s22 =	simm.s32 $0xE200;
	s25 =	simm.s32 $0x3  }
0x26: {  	s19 =	simm.s32 $0x8;
	s21 =	simm.s32 $0x9;
	p1 =	por @!p0 !p1, p6  }
0x27: {  	p6 =	por !p6, p0;
	s0 =	sadd.s32 $0x1C000, s3;
	s7 =	sadd.s32 $0x18000, s3  }
0x28: {  	s8 =	sadd.s32 $0x14000, s3;
	s9 =	sadd.s32 $0x10000, s3;
	s10 =	sadd.s32 $0xC000, s3  }
0x29: {  	s11 =	sadd.s32 $0x8000, s3;
	s13 =	sadd.s32 $0x4000, s3;
	s23 =	sld [smem:$0x7FB]  }
0x2a: {  	s24 =	sld [smem:$0x7FC];
	p0 =	por p1, p0;
	s0 =	sshrl.u32 @!p5 s0, $0x3  }
0x2b: {  	[dreg:$0x11] =	wrdreg s0;
	s0 =	sshrl.u32 @!p6 s9, $0x3;
	s9 =	simm.s32 $0x6  }
0x2c: {  	p1 =	seq.s32 s23, $0x1;
	[dreg:$0x12] =	wrdreg s0;
	s0 =	sshrl.u32 @!p0 s8, $0x3  }
0x2d: {  	s8 =	simm.s32 $0x6200;
	s23 =	simm.s32 $0x1;
	s1 =	sshrl.u32 @!p1 s11, $0x3  }
0x2e: {  	p1 =	seq.s32 s24, $0x1;
	[dreg:$0x13] =	wrdreg s0;
	s24 =	simm.s32 $0x2  }
0x2f: {  	s11 =	simm.s32 $0x7;
	[dreg:$0xd] =	wrdreg s1;
	s1 =	sshrl.u32 @!p1 s10, $0x3  }
.Ltmp0:
0x30: {  	p1 =	sgt.s32 s14, $0x3;
	s10 =	simm.s32 $0x8200;
	(pc) =	sbr.rel .LBB2_1-.Ltmp0, $4  }
0x31: {  	[dreg:$0xe] =	wrdreg s1;
	s1 =	sshrl.u32 @!p3 s13, $0x3;
	s0 =	simm.s32 @!p1 $0x0  }
0x32: {  	s13 =	simm.s32 $0xA200;
	[dreg:$0xf] =	wrdreg s1;
	s1 =	sshrl.u32 @!p4 s7, $0x3  }
0x33: {  	s0 =	simm.s32 @p1 $0x1;
	s7 =	simm.s32 $0x5;
	[dreg:$0x10] =	wrdreg s1  }
0x34: {  	[smem:$0x7FD] =	sst s0;
	s0 =	simm.s32 $0x2200;
	s1 =	simm.s32 $0x4  }
.LBB2_3:
0x35: {  	s14 =	rddreg [dreg:$0x7]  }
0x36: {  	s5 =	simm.s32 @!p4 $0x1D8B;
	s28 =	rddreg [dreg:$0x10]  }
0x37: {  	[spmem:s28], [sflag:s5] =	dma.local @!p4 [hbm:s14], $0x800  }
0x38: {  	s5 =	simm.s32 @!p4 $0xB  }
0x39: {  	_ =	swait.ge @!p4 [sflag:s5], $0x800  }
0x3a: {  	[sflag:s5] =	ssyncset.done @!p4 $0x0;
	s14 =	rddreg [dreg:$0x6]  }
0x3b: {  	s28 =	rddreg [dreg:$0x11];
	[sflag:s5] =	ssyncadd.s32 @!p4 $0xFFFFF800;
	s5 =	simm.s32 @!p5 $0x1DCB  }
0x3c: {  	[spmem:s28], [sflag:s5] =	dma.local @!p5 [hbm:s14], $0x680  }
0x3d: {  	s5 =	simm.s32 @!p5 $0xB  }
0x3e: {  	_ =	swait.ge @!p5 [sflag:s5], $0x680  }
0x3f: {  	[sflag:s5] =	ssyncset.done @!p5 $0x0;
	s14 =	rddreg [dreg:$0x9]  }
0x40: {  	s28 =	rddreg [dreg:$0x12];
	[sflag:s5] =	ssyncadd.s32 @!p5 $0xFFFFF980;
	s5 =	simm.s32 @!p6 $0x1D0B  }
0x41: {  	[spmem:s28], [sflag:s5] =	dma.local @!p6 [hbm:s14], $0x800  }
0x42: {  	s5 =	simm.s32 @!p6 $0xB  }
0x43: {  	_ =	swait.ge @!p6 [sflag:s5], $0x800  }
0x44: {  	[sflag:s5] =	ssyncset.done @!p6 $0x0;
	s14 =	rddreg [dreg:$0x8]  }
0x45: {  	s28 =	rddreg [dreg:$0x13];
	[sflag:s5] =	ssyncadd.s32 @!p6 $0xFFFFF800;
	s5 =	simm.s32 @!p0 $0x1D4B  }
0x46: {  	[spmem:s28], [sflag:s5] =	dma.local @!p0 [hbm:s14], $0x800  }
0x47: {  	s5 =	simm.s32 @!p0 $0xB  }
0x48: {  	_ =	swait.ge @!p0 [sflag:s5], $0x800  }
0x49: {  	[sflag:s5] =	ssyncset.done @!p0 $0x0  }
0x4a: {  	[sflag:s5] =	ssyncadd.s32 @!p0 $0xFFFFF800  }
.LBB2_4:
0x4b: {  	_ =	swait.ge [sflag:s30], $0x200  }
0x4c: {  	[sflag:s30] =	ssyncset.done $0x0  }
0x4d: {  	[sflag:s30] =	ssyncadd.s32 $0xFFFFFE00  }
0x4e: {  	[bflag:$0x0] =	sbarrier.arrive $0xFFFF  }
0x4f: {  	[tilespmem:s2], [sflag:$0x1] =	stream.indirect.gather [spmem:s3], $0x80, s4, s31, $0xb8;
	[tilespmem:$0x12140] =	vst v63  }
0x50: {  	_ = 	snop  }
0x51: {  	[tilespmem:s0], [sflag:$0x2] =	stream.indirect.gather [spmem:s3], $0x80, s31, s31, $0xb8;
	[tilespmem:$0x12140] =	vst v63  }
0x52: {  	s5 =	simm.s32 $0x80  }
0x53: {  	[tilespmem:s6], [sflag:$0x3] =	stream.indirect.gather [spmem:s3], $0x80, s5, s31, $0xb8;
	[tilespmem:$0x12140] =	vst v63  }
0x54: {  	s28 =	simm.s32 $0xC0  }
0x55: {  	[tilespmem:s8], [sflag:$0x4] =	stream.indirect.gather [spmem:s3], $0x80, s28, s31, $0xb8;
	[tilespmem:$0x12140] =	vst v63  }
0x56: {  	s14 =	simm.s32 $0x100  }
0x57: {  	[tilespmem:s10], [sflag:$0x5] =	stream.indirect.gather [spmem:s3], $0x80, s14, s31, $0xb8;
	[tilespmem:$0x12140] =	vst v63  }
0x58: {  	s28 =	simm.s32 $0x140  }
0x59: {  	[tilespmem:s13], [sflag:$0x6] =	stream.indirect.gather [spmem:s3], $0x80, s28, s31, $0xb8;
	[tilespmem:$0x12140] =	vst v63  }
0x5a: {  	s14 =	simm.s32 $0x180  }
0x5b: {  	[tilespmem:s20], [sflag:$0x7] =	stream.indirect.gather [spmem:s3], $0x80, s14, s31, $0xb8;
	[tilespmem:$0x12140] =	vst v63  }
0x5c: {  	s28 =	simm.s32 $0x1C0  }
0x5d: {  	[tilespmem:s22], [sflag:$0x8] =	stream.indirect.gather [spmem:s3], $0x80, s28, s31, $0xb8;
	[tilespmem:$0x12140] =	vst v63  }
0x5e: {  	_ =	swait.ge [sflag:s23], $0x2000  }
0x5f: {  	[sflag:s23] =	ssyncset.done $0x0  }
0x60: {  	[sflag:s23] =	ssyncadd.s32 $0xFFFFE000  }
0x61: {  	[hbm4b:s12+s4] =	stream.linear.scatter [tilespmem:s2], [sflag:$0x9], $0x2000, $0x38;
	[tilespmem:$0x12140] =	vst v63  }
0x62: {  	_ =	swait.ge [sflag:s24], $0x2000  }
0x63: {  	[sflag:s24] =	ssyncset.done $0x0  }
0x64: {  	[sflag:s24] =	ssyncadd.s32 $0xFFFFE000  }
0x65: {  	[hbm4b:s15+s4] =	stream.linear.scatter [tilespmem:s0], [sflag:$0x9], $0x2000, $0x38;
	[tilespmem:$0x12140] =	vst v63  }
0x66: {  	_ =	swait.ge [sflag:s25], $0x2000  }
0x67: {  	[sflag:s25] =	ssyncset.done $0x0  }
0x68: {  	[sflag:s25] =	ssyncadd.s32 $0xFFFFE000  }
0x69: {  	[hbm4b:s16+s4] =	stream.linear.scatter [tilespmem:s6], [sflag:$0x9], $0x2000, $0x38;
	[tilespmem:$0x12140] =	vst v63  }
0x6a: {  	_ =	swait.ge [sflag:s1], $0x2000  }
0x6b: {  	[sflag:s1] =	ssyncset.done $0x0  }
0x6c: {  	[sflag:s1] =	ssyncadd.s32 $0xFFFFE000  }
0x6d: {  	[hbm4b:s17+s4] =	stream.linear.scatter [tilespmem:s8], [sflag:$0x9], $0x2000, $0x38;
	[tilespmem:$0x12140] =	vst v63  }
0x6e: {  	_ =	swait.ge [sflag:s7], $0x2000  }
0x6f: {  	[sflag:s7] =	ssyncset.done $0x0  }
0x70: {  	[sflag:s7] =	ssyncadd.s32 $0xFFFFE000  }
0x71: {  	[hbm4b:s26+s4] =	stream.linear.scatter [tilespmem:s10], [sflag:$0x9], $0x2000, $0x38;
	[tilespmem:$0x12140] =	vst v63  }
0x72: {  	_ =	swait.ge [sflag:s9], $0x2000  }
0x73: {  	[sflag:s9] =	ssyncset.done $0x0  }
0x74: {  	s14 =	rddreg [dreg:$0x14];
	[sflag:s9] =	ssyncadd.s32 $0xFFFFE000  }
0x75: {  	[hbm4b:s14+s4] =	stream.linear.scatter [tilespmem:s13], [sflag:$0x9], $0x2000, $0x38;
	[tilespmem:$0x12140] =	vst v63  }
0x76: {  	_ =	swait.ge [sflag:s11], $0x2000  }
0x77: {  	[sflag:s11] =	ssyncset.done $0x0  }
0x78: {  	s28 =	rddreg [dreg:$0x15];
	[sflag:s11] =	ssyncadd.s32 $0xFFFFE000  }
0x79: {  	[hbm4b:s28+s4] =	stream.linear.scatter [tilespmem:s20], [sflag:$0x9], $0x2000, $0x38;
	[tilespmem:$0x12140] =	vst v63  }
0x7a: {  	_ =	swait.ge [sflag:s19], $0x2000  }
0x7b: {  	[sflag:s19] =	ssyncset.done $0x0  }
0x7c: {  	[sflag:s19] =	ssyncadd.s32 $0xFFFFE000  }
0x7d: {  	[hbm4b:s29+s4] =	stream.linear.scatter [tilespmem:s22], [sflag:$0x9], $0x2000, $0x38;
	[tilespmem:$0x12140] =	vst v63  }
0x7e: {  	_ =	swait.ge [sflag:s21], $0x2000  }
0x7f: {  	[sflag:s21] =	ssyncset.done $0x0  }
0x80: {  	[sflag:s21] =	ssyncadd.s32 $0xFFFFE000  }
0x81: {  	_ =	swait.ge [sflag:s21], $0x2000  }
0x82: {  	[sflag:s21] =	ssyncset.done $0x0  }
0x83: {  	[sflag:s21] =	ssyncadd.s32 $0xFFFFE000  }
0x84: {  	_ =	swait.ge [sflag:s21], $0x2000  }
0x85: {  	[sflag:s21] =	ssyncset.done $0x0  }
0x86: {  	[sflag:s21] =	ssyncadd.s32 $0xFFFFE000  }
0x87: {  	_ =	swait.ge [sflag:s21], $0x2000  }
0x88: {  	[sflag:s21] =	ssyncset.done $0x0  }
0x89: {  	[sflag:s21] =	ssyncadd.s32 $0xFFFFE000  }
0x8a: {  	_ =	swait.ge [sflag:s21], $0x2000  }
0x8b: {  	[sflag:s21] =	ssyncset.done $0x0  }
0x8c: {  	[sflag:s21] =	ssyncadd.s32 $0xFFFFE000  }
0x8d: {  	_ =	swait.ge [sflag:s21], $0x2000  }
0x8e: {  	[sflag:s21] =	ssyncset.done $0x0  }
0x8f: {  	s18 =	sadd.s32 $0xFFFFFFFF, s18;
	[sflag:s21] =	ssyncadd.s32 $0xFFFFE000  }
0x90: {  	p1 =	sne.s32 s18, $0x0;
	_ =	swait.ge [sflag:s21], $0x2000  }
.Ltmp1:
0x91: {  	[sflag:s21] =	ssyncset.done $0x0;
	(pc) =	sbr.rel @!p1 .LBB2_5-.Ltmp1, $4  }
0x92: {  	[sflag:s21] =	ssyncadd.s32 $0xFFFFE000  }
0x93: {  	_ =	swait.ge [sflag:s21], $0x2000  }
0x94: {  	[sflag:s21] =	ssyncset.done $0x0  }
0x95: {  	[sflag:s21] =	ssyncadd.s32 $0xFFFFE000  }
.LBB2_1:
0x96: {  	s28 =	sld [smem:$0x7FD];
	_ =	sdelay $0x2  }
0x97: {  	p1 =	seq.s32 s28, $0x1  }
.Ltmp2:
0x98: {  	_ = 	snop;
	(pc) =	sbr.rel @p1 .LBB2_3-.Ltmp2, $3  }
0x99: {  	_ =	sdelay $0x1  }
0x9a: {  	s5 =	rddreg [dreg:$0x5]  }
0x9b: {  	[tilespmem:s4], [sflag:$0xA] =	stream.linear.gather [hbm4b:s5+s4], $0x200, $0x38;
	[tilespmem:$0x12140] =	vst v63  }
0x9c: {  	s5 =	sld [smem:$0x7FB];
	_ =	sdelay $0x2  }
0x9d: {  	s14 =	rddreg [dreg:$0xb];
	p1 =	seq.s32 s5, $0x1  }
0x9e: {  	s28 =	rddreg [dreg:$0xd];
	s5 =	simm.s32 @!p1 $0x1C8B  }
0x9f: {  	[spmem:s28], [sflag:s5] =	dma.local @!p1 [hbm:s14], $0x800  }
0xa0: {  	s5 =	simm.s32 @!p1 $0xB  }
0xa1: {  	_ =	swait.ge @!p1 [sflag:s5], $0x800  }
0xa2: {  	s28 =	sld [smem:$0x7FC];
	_ =	sdelay $0x1  }
0xa3: {  	[sflag:s5] =	ssyncset.done @!p1 $0x0  }
0xa4: {  	s14 =	rddreg [dreg:$0xa];
	[sflag:s5] =	ssyncadd.s32 @!p1 $0xFFFFF800;
	p1 =	seq.s32 s28, $0x1  }
0xa5: {  	s28 =	rddreg [dreg:$0xe];
	s5 =	simm.s32 @!p1 $0x1CCB  }
0xa6: {  	[spmem:s28], [sflag:s5] =	dma.local @!p1 [hbm:s14], $0x800  }
0xa7: {  	s5 =	simm.s32 @!p1 $0xB  }
0xa8: {  	_ =	swait.ge @!p1 [sflag:s5], $0x800  }
0xa9: {  	s14 =	simm.s32 @!p2 $0x1C0B;
	s28 =	smov.u32 s26;
	[sflag:s5] =	ssyncset.done @!p1 $0x0  }
0xaa: {  	s26 =	smov.u32 s17;
	s17 =	smov.u32 s16;
	[sflag:s5] =	ssyncadd.s32 @!p1 $0xFFFFF800  }
0xab: {  	s16 =	smov.u32 s15;
	s5 =	sshrl.u32 @!p2 s3, $0x3;
	s15 =	rddreg [dreg:$0x0]  }
0xac: {  	[spmem:s5], [sflag:s14] =	dma.local @!p2 [hbm:s15], $0x800  }
0xad: {  	s15 =	smov.u32 s16;
	s5 =	simm.s32 @!p2 $0xB  }
0xae: {  	s16 =	smov.u32 s17;
	s17 =	smov.u32 s26;
	_ =	swait.ge @!p2 [sflag:s5], $0x800  }
0xaf: {  	s26 =	smov.u32 s28;
	[sflag:s5] =	ssyncset.done @!p2 $0x0;
	s14 =	rddreg [dreg:$0xc]  }
0xb0: {  	s28 =	rddreg [dreg:$0xf];
	[sflag:s5] =	ssyncadd.s32 @!p2 $0xFFFFF800;
	s5 =	simm.s32 @!p3 $0x1C4B  }
0xb1: {  	[spmem:s28], [sflag:s5] =	dma.local @!p3 [hbm:s14], $0x800  }
.Ltmp3:
0xb2: {  	_ = 	snop;
	(pc) =	sbr.rel .LBB2_4-.Ltmp3, $4  }
0xb3: {  	s5 =	simm.s32 @!p3 $0xB  }
0xb4: {  	_ =	swait.ge @!p3 [sflag:s5], $0x800  }
0xb5: {  	[sflag:s5] =	ssyncset.done @!p3 $0x0  }
0xb6: {  	[sflag:s5] =	ssyncadd.s32 @!p3 $0xFFFFF800  }
.LBB2_5:
0xb7: {  	_ =	sfence.sel $0x180000  }
0xb8: {  	[bflag:$0x0] =	sbarrier.arrive $0xFFFF  }
0xb9: {  	_ =	strace $0x90000047  }
0xba: {  	s0 =	stileid.u32;
	[bflag:$0x2] =	sbarrier.arrive $0xFFFF  }
0xbb: {  	p0 =	sne.s32 s0, $0x0;
	s0 =	rddreg [dreg:$0x4]  }
0xbc: {  	s0 =	sadd.s32 @!p0 $0x100000, s0  }
0xbd: {  	[sflag:s0] =	ssyncadd.tile.s32 @!p0 $0x1;
	_ =	shalt  }
.Lfunc_end2:
_tile_overlayer_lowered:
.L_overlay_start_2:
0xbe: {  	(tag) =	ssettag $0x2  }
0xbf: {  	s0 =	rddreg [dreg:$0x0];
	s2 =	stileid.u32  }
0xc0: {  	s1 =	rddreg [dreg:$0x1];
	p0 =	sne.s32 s2, $0x0  }
0xc1: {  	s3 =	rddreg [dreg:$0x2];
	[bflag:$0x3] =	sbarrier.arrive $0xFFFF;
	s2 =	simm.s32 @!p0 $0x1C0B  }
0xc2: {  	[timem:s3], [sflag:s2] =	dma.local @!p0 [hbm:s0], s1  }
0xc3: {  	s0 =	simm.s32 @!p0 $0xB  }
0xc4: {  	_ =	swait.ge @!p0 [sflag:s0], s1  }
0xc5: {  	s1 =	ssub.s32 @!p0 $0x0, s1;
	[sflag:s0] =	ssyncset.done @!p0 $0x0  }
0xc6: {  	[sflag:s0] =	ssyncadd.s32 @!p0 s1  }
0xc7: {  	[bflag:$0x3] =	sbarrier.arrive $0xFFFF  }
0xc8: {  	_ =	shalt  }

</sc_bundles>
